<compile_context>
chip_gen: v7x
topology: tpu7x:2x2x1
jax: 0.10.2.dev20260603
libtpu: 0.0.44.dev20260713+nightly
codegen_flags: <defaults>
</compile_context>

<pallas_src>
import functools

import jax
import jax.numpy as jnp
from jax import lax
from jax.experimental import pallas as pl
from jax.experimental.pallas import tpu as pltpu
from jax.experimental.pallas import tpu_sc as plsc

B = 4096
L = 50
LP = 56
D = 64
DS = 16

CH = 2
BC = B // CH

NC, NS = 2, 16
NW = NC * NS
SUB = 128
K_INNER = 7
CHUNK = SUB * K_INNER

ROWS_PER_W = BC * LP // NW
N_OUTER = ROWS_PER_W // CHUNK
ACC_PER_W = BC // NW
U_PER_W = BC // NW
RAW_PER_W = U_PER_W * L
NPAD_VECS = ROWS_PER_W // 16
TS = 100002


def _make_sc_gather(interpret=False):
    mesh = plsc.VectorSubcoreMesh(core_axis_name="c", subcore_axis_name="s",
                                  num_cores=NC, num_subcores=NS)

    @functools.partial(
        pl.kernel,
        out_type=(
            jax.ShapeDtypeStruct((BC * LP, D), jnp.float32),
            jax.ShapeDtypeStruct((BC, D), jnp.float32),
            jax.ShapeDtypeStruct((BC, DS), jnp.float32),
            jax.ShapeDtypeStruct((BC, DS), jnp.float32),
        ),
        mesh=mesh,
        scratch_types=[
            pltpu.VMEM((U_PER_W, L), jnp.int32),
            pltpu.VMEM((ROWS_PER_W,), jnp.int32),
            pltpu.VMEM((CHUNK, D), jnp.float32),
            pltpu.VMEM((1, ACC_PER_W), jnp.int32),
            pltpu.VMEM((ACC_PER_W, D), jnp.float32),
            pltpu.VMEM((1, ACC_PER_W), jnp.int32),
            pltpu.VMEM((ACC_PER_W, DS), jnp.float32),
            pltpu.VMEM((1, ACC_PER_W), jnp.int32),
            pltpu.VMEM((ACC_PER_W, DS), jnp.float32),
            pltpu.SemaphoreType.DMA,
            pltpu.SemaphoreType.DMA,
        ],
        compiler_params=pltpu.CompilerParams(use_tc_tiling_on_sc=False,
                                             needs_layout_passes=False),
        interpret=interpret,
    )
    def sc_gather(chain_ids2d, acc_idx2d, hour_idx2d, wd_idx2d,
                  chain_table, account_table, hour_table, weekday_table,
                  x_out, acc_out, h_out, w_out,
                  craw_v, cidx_v, rows_v, aidx_v, arows_v, hidx_v, hrows_v,
                  widx_v, wrows_v, sem, sem2):
        wid = lax.axis_index("s") * NC + lax.axis_index("c")

        pltpu.sync_copy(acc_idx2d.at[wid], aidx_v)
        pltpu.sync_copy(hour_idx2d.at[wid], hidx_v)
        pltpu.sync_copy(wd_idx2d.at[wid], widx_v)
        a_cp = pltpu.make_async_copy(account_table.at[aidx_v.at[0]], arows_v,
                                     sem2)
        h_cp = pltpu.make_async_copy(hour_table.at[hidx_v.at[0]], hrows_v,
                                     sem2)
        w_cp = pltpu.make_async_copy(weekday_table.at[widx_v.at[0]], wrows_v,
                                     sem2)
        a_cp.start()
        h_cp.start()
        w_cp.start()

        pltpu.sync_copy(chain_ids2d.at[pl.ds(wid * U_PER_W, U_PER_W)],
                        craw_v)
        ubase = wid * U_PER_W

        def build(t, carry):
            pos = t * 16 + lax.iota(jnp.int32, 16)
            u = lax.shift_right_logical(pos * 37450, 21)
            j = pos - u * LP
            src = pos - 6 * u
            su = lax.shift_right_logical(src * 41944, 21)
            got = plsc.load_gather(craw_v, [su, src - su * L])
            padv = (ubase + u) * 24 + 1
            cidx_v[pl.ds(t * 16, 16)] = jnp.where(j >= L, padv, got)
            return carry

        lax.fori_loop(0, NPAD_VECS, build, 0)
        base = wid * ROWS_PER_W

        def outer(g, carry):
            cps = [
                pltpu.make_async_copy(
                    chain_table.at[cidx_v.at[pl.ds((g * K_INNER + j) * SUB,
                                                   SUB)]],
                    rows_v.at[pl.ds(j * SUB, SUB)], sem)
                for j in range(K_INNER)
            ]
            for cp in cps:
                cp.start()
            for cp in cps:
                cp.wait()
            pltpu.sync_copy(rows_v, x_out.at[pl.ds(base + g * CHUNK, CHUNK)])
            return carry

        lax.fori_loop(0, N_OUTER, outer, 0)

        a_cp.wait()
        h_cp.wait()
        w_cp.wait()
        abase = wid * ACC_PER_W
        pltpu.sync_copy(arows_v, acc_out.at[pl.ds(abase, ACC_PER_W)])
        pltpu.sync_copy(hrows_v, h_out.at[pl.ds(abase, ACC_PER_W)])
        pltpu.sync_copy(wrows_v, w_out.at[pl.ds(abase, ACC_PER_W)])

    return sc_gather


BB = 128
PREC = lax.Precision.DEFAULT


def _attn_body(ids_ref, x_ref, acc_ref, h_ref, w_ref,
               wq_ref, bq_ref, wk_ref, bk_ref, wv_ref, bv_ref,
               wo_ref, bo_ref, lng_ref, lnb_ref, out_ref):
    x2 = x_ref[...]
    q = jnp.dot(x2, wq_ref[...], precision=PREC,
                preferred_element_type=jnp.float32) + bq_ref[...]
    k = jnp.dot(x2, wk_ref[...], precision=PREC,
                preferred_element_type=jnp.float32) + bk_ref[...]
    v = jnp.dot(x2, wv_ref[...], precision=PREC,
                preferred_element_type=jnp.float32) + bv_ref[...]
    q3 = q.reshape(BB, LP, D)
    k3 = k.reshape(BB, LP, D)
    v3 = v.reshape(BB, LP, D)
    scores = lax.dot_general(q3, k3, (((2,), (2,)), ((0,), (0,))),
                             precision=PREC,
                             preferred_element_type=jnp.float32) * 0.125
    ids56 = jnp.concatenate(
        [ids_ref[...], jnp.zeros((BB, LP - L), jnp.int32)], axis=1)
    idmask = ids56 != 0
    padcol = lax.broadcasted_iota(jnp.int32, (BB, LP), 1) >= L
    mask = idmask & jnp.logical_not(padcol)
    scores = jnp.where(idmask[:, None, :], scores, jnp.float32(-1e9))
    scores = jnp.where(padcol[:, None, :], jnp.float32(-2e9), scores)
    m = jnp.max(scores, axis=-1, keepdims=True)
    e = jnp.exp(scores - m)
    attn = e / jnp.sum(e, axis=-1, keepdims=True)
    ctx = lax.dot_general(attn, v3, (((2,), (1,)), ((0,), (0,))),
                          precision=PREC,
                          preferred_element_type=jnp.float32)
    ctx2 = ctx.reshape(BB * LP, D)
    y = x2 + jnp.dot(ctx2, wo_ref[...], precision=PREC,
                     preferred_element_type=jnp.float32) + bo_ref[...]
    mean = jnp.mean(y, axis=-1, keepdims=True)
    var = jnp.mean((y - mean) ** 2, axis=-1, keepdims=True)
    y = lng_ref[...] * (y - mean) / jnp.sqrt(var + 1e-3) + lnb_ref[...]
    y3 = y.reshape(BB, LP, D)
    mf = mask.astype(jnp.float32)[..., None]
    pooled = jnp.sum(y3 * mf, axis=1) / jnp.clip(jnp.sum(mf, axis=1), 1.0,
                                                 None)
    out_ref[:, 0:D] = acc_ref[...]
    out_ref[:, D:2 * D] = pooled
    out_ref[:, 2 * D:2 * D + DS] = h_ref[...]
    out_ref[:, 2 * D + DS:2 * D + 2 * DS] = w_ref[...]


def _make_tc_attn(interpret=False):
    full = lambda shape: pl.BlockSpec(shape, lambda i: (0,) * len(shape))
    return pl.pallas_call(
        _attn_body,
        grid=(BC // BB,),
        in_specs=[
            pl.BlockSpec((BB, L), lambda i: (i, 0)),
            pl.BlockSpec((BB * LP, D), lambda i: (i, 0)),
            pl.BlockSpec((BB, D), lambda i: (i, 0)),
            pl.BlockSpec((BB, DS), lambda i: (i, 0)),
            pl.BlockSpec((BB, DS), lambda i: (i, 0)),
            full((D, D)), full((1, D)),
            full((D, D)), full((1, D)),
            full((D, D)), full((1, D)),
            full((D, D)), full((1, D)),
            full((1, D)), full((1, D)),
        ],
        out_specs=pl.BlockSpec((BB, 2 * D + 2 * DS), lambda i: (i, 0)),
        out_shape=jax.ShapeDtypeStruct((BC, 2 * D + 2 * DS), jnp.float32),
        interpret=interpret,
    )


_tc_attn = _make_tc_attn()


@functools.cache
def _get_sc_gather():
    return _make_sc_gather()


def kernel(account_idx, prev_chain_ids, hour_idx, weekday_idx,
           account_table, chain_table, Wq, bq, Wk, bk, Wv, bv, Wo, bo,
           ln_gamma, ln_beta, hour_table, weekday_table):
    sc = _get_sc_gather()
    weights = (Wq, bq.reshape(1, D), Wk, bk.reshape(1, D),
               Wv, bv.reshape(1, D), Wo, bo.reshape(1, D),
               ln_gamma.reshape(1, D), ln_beta.reshape(1, D))
    outs = []
    for s in range(CH):
        sl = slice(s * BC, (s + 1) * BC)
        xf, acc, h, w = sc(prev_chain_ids[sl],
                           account_idx[sl].reshape(NW, 1, ACC_PER_W),
                           hour_idx[sl].reshape(NW, 1, ACC_PER_W),
                           weekday_idx[sl].reshape(NW, 1, ACC_PER_W),
                           chain_table, account_table, hour_table,
                           weekday_table)
        outs.append(_tc_attn(prev_chain_ids[sl], xf, acc, h, w, *weights))
    return outs[0] if CH == 1 else jnp.concatenate(outs, axis=0)

# --- scband reference (transcript-rebuilt; emitter-appended) ---
"""Pipeline reference for scband-user-model-v2-8134668059043 (READ-ONLY COPY).

The authoritative reference and input builder live on the scoring server;
editing this copy changes nothing except your own understanding.
"""

import jax, jax.numpy as jnp
import numpy as np

B, L = 4096, 50
NUM_ACCOUNTS = 100001   # len(unique_account_ids)+1 (StringLookup OOV)
NUM_CHAINS = 100002     # len(unique_chain_ids)+2 (TextVectorization pad+OOV), mask token = 0
D = 64                  # user_emb_size == chain_emb_size == key_dim
DS = 16                 # hour/weekday embedding dim

def setup_inputs(seed: int = 0) -> dict:
    key = jax.random.key(seed)
    ks = jax.random.split(key, 20)
    inp = {}
    inp['account_idx'] = jax.random.randint(ks[0], (B,), 0, NUM_ACCOUNTS, dtype=jnp.int32)
    inp['prev_chain_ids'] = jax.random.randint(ks[1], (B, L), 0, NUM_CHAINS, dtype=jnp.int32)
    inp['hour_idx'] = jax.random.randint(ks[2], (B,), 0, 25, dtype=jnp.int32)
    inp['weekday_idx'] = jax.random.randint(ks[3], (B,), 0, 8, dtype=jnp.int32)
    # learned parameters
    inp['account_table'] = jax.random.normal(ks[4], (NUM_ACCOUNTS, D), dtype=jnp.float32) * 0.02
    inp['chain_table'] = jax.random.normal(ks[5], (NUM_CHAINS, D), dtype=jnp.float32) * 0.02
    inp['Wq'] = jax.random.normal(ks[6], (D, D), dtype=jnp.float32) * 0.02
    inp['bq'] = jnp.zeros((D,), dtype=jnp.float32)
    inp['Wk'] = jax.random.normal(ks[7], (D, D), dtype=jnp.float32) * 0.02
    inp['bk'] = jnp.zeros((D,), dtype=jnp.float32)
    inp['Wv'] = jax.random.normal(ks[8], (D, D), dtype=jnp.float32) * 0.02
    inp['bv'] = jnp.zeros((D,), dtype=jnp.float32)
    inp['Wo'] = jax.random.normal(ks[9], (D, D), dtype=jnp.float32) * 0.02
    inp['bo'] = jnp.zeros((D,), dtype=jnp.float32)
    inp['ln_gamma'] = jnp.ones((D,), dtype=jnp.float32)
    inp['ln_beta'] = jnp.zeros((D,), dtype=jnp.float32)
    inp['hour_table'] = jax.random.normal(ks[10], (25, DS), dtype=jnp.float32) * 0.02
    inp['weekday_table'] = jax.random.normal(ks[11], (8, DS), dtype=jnp.float32) * 0.02
    return inp

def _global_self_attention(x, mask, Wq, bq, Wk, bk, Wv, bv, Wo, bo, ln_gamma, ln_beta):
    # keras GlobalSelfAttention = MultiHeadAttention(1 head, key_dim=D) + residual Add + LayerNorm
    q = x @ Wq + bq
    k = x @ Wk + bk
    v = x @ Wv + bv
    scores = jnp.einsum('bqd,bkd->bqk', q, k) / jnp.sqrt(jnp.float32(D))
    scores = jnp.where(mask[:, None, :], scores, jnp.float32(-1e9))
    attn = jax.nn.softmax(scores, axis=-1)
    ctx = jnp.einsum('bqk,bkd->bqd', attn, v)
    ctx = ctx @ Wo + bo
    y = x + ctx
    mean = jnp.mean(y, axis=-1, keepdims=True)
    var = jnp.var(y, axis=-1, keepdims=True)
    y = ln_gamma * (y - mean) / jnp.sqrt(var + 1e-3) + ln_beta
    return y

def reference(account_idx, prev_chain_ids, hour_idx, weekday_idx,
              account_table, chain_table, Wq, bq, Wk, bk, Wv, bv, Wo, bo,
              ln_gamma, ln_beta, hour_table, weekday_table):
    # account tower: StringLookup -> Embedding  (modelled as direct row gather)
    acc = jnp.take(account_table, account_idx, axis=0)                 # [B, D]
    # prev_chains tower: TextVectorization -> Embedding(mask_zero) -> SelfAttn -> masked GAP
    x = jnp.take(chain_table, prev_chain_ids, axis=0)                  # [B, L, D]
    mask = prev_chain_ids != 0                                          # [B, L]
    y = _global_self_attention(x, mask, Wq, bq, Wk, bk, Wv, bv, Wo, bo, ln_gamma, ln_beta)
    mf = mask.astype(jnp.float32)[..., None]
    pooled = jnp.sum(y * mf, axis=1) / jnp.clip(jnp.sum(mf, axis=1), 1.0, None)  # [B, D]
    # order_hour / order_weekday towers: IntegerLookup -> Embedding
    h = jnp.take(hour_table, hour_idx, axis=0)                          # [B, 16]
    w = jnp.take(weekday_table, weekday_idx, axis=0)                    # [B, 16]
    return jnp.concatenate([acc, pooled, h, w], axis=-1)                # [B, 160]

if __name__ == "__main__":
    import jax
    _d = setup_inputs()
    print(jax.jit(kernel)(*tuple(_d.values())))

</pallas_src>

<mosaic_0001>
#map = affine_map<(d0, d1) -> (0, 0)>
#map1 = affine_map<(d0, d1) -> (0, 0, 0)>
module attributes {stable_mosaic.version = 14 : i64} {
  func.func @sc_gather(%arg0: i32, %arg1: i32, %arg2: memref<2048x50xi32, #tpu.memory_space<hbm>>, %arg3: memref<32x1x64xi32, #tpu.memory_space<hbm>>, %arg4: memref<32x1x64xi32, #tpu.memory_space<hbm>>, %arg5: memref<32x1x64xi32, #tpu.memory_space<hbm>>, %arg6: memref<100002x64xf32, #tpu.memory_space<hbm>>, %arg7: memref<100001x64xf32, #tpu.memory_space<hbm>>, %arg8: memref<25x16xf32, #tpu.memory_space<hbm>>, %arg9: memref<8x16xf32, #tpu.memory_space<hbm>>, %arg10: memref<114688x64xf32, #tpu.memory_space<hbm>>, %arg11: memref<2048x64xf32, #tpu.memory_space<hbm>>, %arg12: memref<2048x16xf32, #tpu.memory_space<hbm>>, %arg13: memref<2048x16xf32, #tpu.memory_space<hbm>>, %arg14: memref<64x50xi32, #tpu.memory_space<vmem>>, %arg15: memref<3584xi32, #tpu.memory_space<vmem>>, %arg16: memref<896x64xf32, #tpu.memory_space<vmem>>, %arg17: memref<1x64xi32, #tpu.memory_space<vmem>>, %arg18: memref<64x64xf32, #tpu.memory_space<vmem>>, %arg19: memref<1x64xi32, #tpu.memory_space<vmem>>, %arg20: memref<64x16xf32, #tpu.memory_space<vmem>>, %arg21: memref<1x64xi32, #tpu.memory_space<vmem>>, %arg22: memref<64x16xf32, #tpu.memory_space<vmem>>, %arg23: memref<!tpu.dma_semaphore, #tpu.memory_space<semaphore_mem>>, %arg24: memref<!tpu.dma_semaphore, #tpu.memory_space<semaphore_mem>>) attributes {dimension_semantics = [#tpu.dimension_semantics<core_parallel>, #tpu.dimension_semantics<subcore_parallel>], iteration_bounds = array<i64: 2, 16>, scalar_prefetch = 0 : i64, scratch_operands = 11 : i64, tpu.core_type = #tpu.core_type<sc_vector_subcore>, window_params = [{transform_indices = #map}, {transform_indices = #map1}, {transform_indices = #map1}, {transform_indices = #map1}, {transform_indices = #map}, {transform_indices = #map}, {transform_indices = #map}, {transform_indices = #map}, {transform_indices = #map}, {transform_indices = #map}, {transform_indices = #map}, {transform_indices = #map}]} {
    %mul3A = arith.constant 2 : i32
    %mul3A_0 = arith.muli %arg1, %mul3A : i32
    %add3A = arith.addi %mul3A_0, %arg0 : i32
    "tpu.region"() ({
      %run_scoped3A = tpu.sem_alloc : memref<!tpu.dma_semaphore, #tpu.memory_space<semaphore_mem>>
      %dma_start3A_60 = arith.constant 0 : i32
      %dma_start3A_61 = arith.constant 0 : i32
      %dma_start3A_62 = tpu.memref_slice %arg3[%add3A, %dma_start3A_60, %dma_start3A_61] : memref<32x1x64xi32, #tpu.memory_space<hbm>> -> memref<1x1x64xi32, #tpu.memory_space<hbm>>
      %dma_start3A_63 = tpu.memref_squeeze %dma_start3A_62 : memref<1x1x64xi32, #tpu.memory_space<hbm>> -> memref<1x64xi32, #tpu.memory_space<hbm>>
      %dma_start3A_64 = arith.constant 0 : i32
      %dma_start3A_65 = arith.constant 0 : i32
      %dma_start3A_66 = tpu.memref_slice %arg3[%add3A, %dma_start3A_64, %dma_start3A_65] : memref<32x1x64xi32, #tpu.memory_space<hbm>> -> memref<1x1x64xi32, #tpu.memory_space<hbm>>
      %dma_start3A_67 = tpu.memref_squeeze %dma_start3A_66 : memref<1x1x64xi32, #tpu.memory_space<hbm>> -> memref<1x64xi32, #tpu.memory_space<hbm>>
      tpu.enqueue_dma source(%dma_start3A_67 : memref<1x64xi32, #tpu.memory_space<hbm>>) target(%arg17 : memref<1x64xi32, #tpu.memory_space<vmem>>) target_semaphore(%run_scoped3A : memref<!tpu.dma_semaphore, #tpu.memory_space<semaphore_mem>>)
      %dma_wait3A_68 = arith.constant 0 : i32
      %dma_wait3A_69 = arith.constant 0 : i32
      %dma_wait3A_70 = tpu.memref_slice %arg3[%add3A, %dma_wait3A_68, %dma_wait3A_69] : memref<32x1x64xi32, #tpu.memory_space<hbm>> -> memref<1x1x64xi32, #tpu.memory_space<hbm>>
      %dma_wait3A_71 = tpu.memref_squeeze %dma_wait3A_70 : memref<1x1x64xi32, #tpu.memory_space<hbm>> -> memref<1x64xi32, #tpu.memory_space<hbm>>
      %dma_wait3A_72 = arith.constant 0 : i32
      %dma_wait3A_73 = arith.constant 0 : i32
      %dma_wait3A_74 = tpu.memref_slice %arg3[%add3A, %dma_wait3A_72, %dma_wait3A_73] : memref<32x1x64xi32, #tpu.memory_space<hbm>> -> memref<1x1x64xi32, #tpu.memory_space<hbm>>
      %dma_wait3A_75 = tpu.memref_squeeze %dma_wait3A_74 : memref<1x1x64xi32, #tpu.memory_space<hbm>> -> memref<1x64xi32, #tpu.memory_space<hbm>>
      tpu.wait_dma2 semaphore(%run_scoped3A : memref<!tpu.dma_semaphore, #tpu.memory_space<semaphore_mem>>) src(%dma_wait3A_75 : memref<1x64xi32, #tpu.memory_space<hbm>>) dst(%arg17 : memref<1x64xi32, #tpu.memory_space<vmem>>)
      tpu.yield
    }) : () -> ()
    "tpu.region"() ({
      %run_scoped3A = tpu.sem_alloc : memref<!tpu.dma_semaphore, #tpu.memory_space<semaphore_mem>>
      %dma_start3A_60 = arith.constant 0 : i32
      %dma_start3A_61 = arith.constant 0 : i32
      %dma_start3A_62 = tpu.memref_slice %arg4[%add3A, %dma_start3A_60, %dma_start3A_61] : memref<32x1x64xi32, #tpu.memory_space<hbm>> -> memref<1x1x64xi32, #tpu.memory_space<hbm>>
      %dma_start3A_63 = tpu.memref_squeeze %dma_start3A_62 : memref<1x1x64xi32, #tpu.memory_space<hbm>> -> memref<1x64xi32, #tpu.memory_space<hbm>>
      %dma_start3A_64 = arith.constant 0 : i32
      %dma_start3A_65 = arith.constant 0 : i32
      %dma_start3A_66 = tpu.memref_slice %arg4[%add3A, %dma_start3A_64, %dma_start3A_65] : memref<32x1x64xi32, #tpu.memory_space<hbm>> -> memref<1x1x64xi32, #tpu.memory_space<hbm>>
      %dma_start3A_67 = tpu.memref_squeeze %dma_start3A_66 : memref<1x1x64xi32, #tpu.memory_space<hbm>> -> memref<1x64xi32, #tpu.memory_space<hbm>>
      tpu.enqueue_dma source(%dma_start3A_67 : memref<1x64xi32, #tpu.memory_space<hbm>>) target(%arg19 : memref<1x64xi32, #tpu.memory_space<vmem>>) target_semaphore(%run_scoped3A : memref<!tpu.dma_semaphore, #tpu.memory_space<semaphore_mem>>)
      %dma_wait3A_68 = arith.constant 0 : i32
      %dma_wait3A_69 = arith.constant 0 : i32
      %dma_wait3A_70 = tpu.memref_slice %arg4[%add3A, %dma_wait3A_68, %dma_wait3A_69] : memref<32x1x64xi32, #tpu.memory_space<hbm>> -> memref<1x1x64xi32, #tpu.memory_space<hbm>>
      %dma_wait3A_71 = tpu.memref_squeeze %dma_wait3A_70 : memref<1x1x64xi32, #tpu.memory_space<hbm>> -> memref<1x64xi32, #tpu.memory_space<hbm>>
      %dma_wait3A_72 = arith.constant 0 : i32
      %dma_wait3A_73 = arith.constant 0 : i32
      %dma_wait3A_74 = tpu.memref_slice %arg4[%add3A, %dma_wait3A_72, %dma_wait3A_73] : memref<32x1x64xi32, #tpu.memory_space<hbm>> -> memref<1x1x64xi32, #tpu.memory_space<hbm>>
      %dma_wait3A_75 = tpu.memref_squeeze %dma_wait3A_74 : memref<1x1x64xi32, #tpu.memory_space<hbm>> -> memref<1x64xi32, #tpu.memory_space<hbm>>
      tpu.wait_dma2 semaphore(%run_scoped3A : memref<!tpu.dma_semaphore, #tpu.memory_space<semaphore_mem>>) src(%dma_wait3A_75 : memref<1x64xi32, #tpu.memory_space<hbm>>) dst(%arg19 : memref<1x64xi32, #tpu.memory_space<vmem>>)
      tpu.yield
    }) : () -> ()
    "tpu.region"() ({
      %run_scoped3A = tpu.sem_alloc : memref<!tpu.dma_semaphore, #tpu.memory_space<semaphore_mem>>
      %dma_start3A_60 = arith.constant 0 : i32
      %dma_start3A_61 = arith.constant 0 : i32
      %dma_start3A_62 = tpu.memref_slice %arg5[%add3A, %dma_start3A_60, %dma_start3A_61] : memref<32x1x64xi32, #tpu.memory_space<hbm>> -> memref<1x1x64xi32, #tpu.memory_space<hbm>>
      %dma_start3A_63 = tpu.memref_squeeze %dma_start3A_62 : memref<1x1x64xi32, #tpu.memory_space<hbm>> -> memref<1x64xi32, #tpu.memory_space<hbm>>
      %dma_start3A_64 = arith.constant 0 : i32
      %dma_start3A_65 = arith.constant 0 : i32
      %dma_start3A_66 = tpu.memref_slice %arg5[%add3A, %dma_start3A_64, %dma_start3A_65] : memref<32x1x64xi32, #tpu.memory_space<hbm>> -> memref<1x1x64xi32, #tpu.memory_space<hbm>>
      %dma_start3A_67 = tpu.memref_squeeze %dma_start3A_66 : memref<1x1x64xi32, #tpu.memory_space<hbm>> -> memref<1x64xi32, #tpu.memory_space<hbm>>
      tpu.enqueue_dma source(%dma_start3A_67 : memref<1x64xi32, #tpu.memory_space<hbm>>) target(%arg21 : memref<1x64xi32, #tpu.memory_space<vmem>>) target_semaphore(%run_scoped3A : memref<!tpu.dma_semaphore, #tpu.memory_space<semaphore_mem>>)
      %dma_wait3A_68 = arith.constant 0 : i32
      %dma_wait3A_69 = arith.constant 0 : i32
      %dma_wait3A_70 = tpu.memref_slice %arg5[%add3A, %dma_wait3A_68, %dma_wait3A_69] : memref<32x1x64xi32, #tpu.memory_space<hbm>> -> memref<1x1x64xi32, #tpu.memory_space<hbm>>
      %dma_wait3A_71 = tpu.memref_squeeze %dma_wait3A_70 : memref<1x1x64xi32, #tpu.memory_space<hbm>> -> memref<1x64xi32, #tpu.memory_space<hbm>>
      %dma_wait3A_72 = arith.constant 0 : i32
      %dma_wait3A_73 = arith.constant 0 : i32
      %dma_wait3A_74 = tpu.memref_slice %arg5[%add3A, %dma_wait3A_72, %dma_wait3A_73] : memref<32x1x64xi32, #tpu.memory_space<hbm>> -> memref<1x1x64xi32, #tpu.memory_space<hbm>>
      %dma_wait3A_75 = tpu.memref_squeeze %dma_wait3A_74 : memref<1x1x64xi32, #tpu.memory_space<hbm>> -> memref<1x64xi32, #tpu.memory_space<hbm>>
      tpu.wait_dma2 semaphore(%run_scoped3A : memref<!tpu.dma_semaphore, #tpu.memory_space<semaphore_mem>>) src(%dma_wait3A_75 : memref<1x64xi32, #tpu.memory_space<hbm>>) dst(%arg21 : memref<1x64xi32, #tpu.memory_space<vmem>>)
      tpu.yield
    }) : () -> ()
    %dma_start3A = arith.constant 0 : i32
    %dma_start3A_1 = arith.constant 0 : i32
    %dma_start3A_2 = tpu.memref_slice %arg17[%dma_start3A, %dma_start3A_1] : memref<1x64xi32, #tpu.memory_space<vmem>> -> memref<1x64xi32, #tpu.memory_space<vmem>>
    %dma_start3A_3 = tpu.memref_squeeze %dma_start3A_2 : memref<1x64xi32, #tpu.memory_space<vmem>> -> memref<64xi32, #tpu.memory_space<vmem>>
    %dma_start3A_4 = arith.constant 0 : i32
    %dma_start3A_5 = arith.constant 0 : i32
    %dma_start3A_6 = tpu.memref_slice %arg7[%dma_start3A_4, %dma_start3A_5] : memref<100001x64xf32, #tpu.memory_space<hbm>> -> memref<100001x64xf32, #tpu.memory_space<hbm>>
    tpu.enqueue_indirect_dma source(%dma_start3A_6 : memref<100001x64xf32, #tpu.memory_space<hbm>>) target(%arg18 : memref<64x64xf32, #tpu.memory_space<vmem>>) offsets(%dma_start3A_3 : memref<64xi32, #tpu.memory_space<vmem>>) semaphore(%arg24 : memref<!tpu.dma_semaphore, #tpu.memory_space<semaphore_mem>>)
    %dma_start3A_7 = arith.constant 0 : i32
    %dma_start3A_8 = arith.constant 0 : i32
    %dma_start3A_9 = tpu.memref_slice %arg19[%dma_start3A_7, %dma_start3A_8] : memref<1x64xi32, #tpu.memory_space<vmem>> -> memref<1x64xi32, #tpu.memory_space<vmem>>
    %dma_start3A_10 = tpu.memref_squeeze %dma_start3A_9 : memref<1x64xi32, #tpu.memory_space<vmem>> -> memref<64xi32, #tpu.memory_space<vmem>>
    %dma_start3A_11 = arith.constant 0 : i32
    %dma_start3A_12 = arith.constant 0 : i32
    %dma_start3A_13 = tpu.memref_slice %arg8[%dma_start3A_11, %dma_start3A_12] : memref<25x16xf32, #tpu.memory_space<hbm>> -> memref<25x16xf32, #tpu.memory_space<hbm>>
    tpu.enqueue_indirect_dma source(%dma_start3A_13 : memref<25x16xf32, #tpu.memory_space<hbm>>) target(%arg20 : memref<64x16xf32, #tpu.memory_space<vmem>>) offsets(%dma_start3A_10 : memref<64xi32, #tpu.memory_space<vmem>>) semaphore(%arg24 : memref<!tpu.dma_semaphore, #tpu.memory_space<semaphore_mem>>)
    %dma_start3A_14 = arith.constant 0 : i32
    %dma_start3A_15 = arith.constant 0 : i32
    %dma_start3A_16 = tpu.memref_slice %arg21[%dma_start3A_14, %dma_start3A_15] : memref<1x64xi32, #tpu.memory_space<vmem>> -> memref<1x64xi32, #tpu.memory_space<vmem>>
    %dma_start3A_17 = tpu.memref_squeeze %dma_start3A_16 : memref<1x64xi32, #tpu.memory_space<vmem>> -> memref<64xi32, #tpu.memory_space<vmem>>
    %dma_start3A_18 = arith.constant 0 : i32
    %dma_start3A_19 = arith.constant 0 : i32
    %dma_start3A_20 = tpu.memref_slice %arg9[%dma_start3A_18, %dma_start3A_19] : memref<8x16xf32, #tpu.memory_space<hbm>> -> memref<8x16xf32, #tpu.memory_space<hbm>>
    tpu.enqueue_indirect_dma source(%dma_start3A_20 : memref<8x16xf32, #tpu.memory_space<hbm>>) target(%arg22 : memref<64x16xf32, #tpu.memory_space<vmem>>) offsets(%dma_start3A_17 : memref<64xi32, #tpu.memory_space<vmem>>) semaphore(%arg24 : memref<!tpu.dma_semaphore, #tpu.memory_space<semaphore_mem>>)
    %mul3A_21 = arith.constant 64 : i32
    %mul3A_22 = arith.muli %add3A, %mul3A_21 : i32
    "tpu.region"() ({
      %run_scoped3A = tpu.sem_alloc : memref<!tpu.dma_semaphore, #tpu.memory_space<semaphore_mem>>
      %dma_start3A_60 = arith.constant 0 : i32
      %dma_start3A_61 = tpu.memref_slice %arg2[%mul3A_22, %dma_start3A_60] : memref<2048x50xi32, #tpu.memory_space<hbm>> -> memref<64x50xi32, #tpu.memory_space<hbm>>
      %dma_start3A_62 = arith.constant 0 : i32
      %dma_start3A_63 = tpu.memref_slice %arg2[%mul3A_22, %dma_start3A_62] : memref<2048x50xi32, #tpu.memory_space<hbm>> -> memref<64x50xi32, #tpu.memory_space<hbm>>
      tpu.enqueue_dma source(%dma_start3A_63 : memref<64x50xi32, #tpu.memory_space<hbm>>) target(%arg14 : memref<64x50xi32, #tpu.memory_space<vmem>>) target_semaphore(%run_scoped3A : memref<!tpu.dma_semaphore, #tpu.memory_space<semaphore_mem>>)
      %dma_wait3A_64 = arith.constant 0 : i32
      %dma_wait3A_65 = tpu.memref_slice %arg2[%mul3A_22, %dma_wait3A_64] : memref<2048x50xi32, #tpu.memory_space<hbm>> -> memref<64x50xi32, #tpu.memory_space<hbm>>
      %dma_wait3A_66 = arith.constant 0 : i32
      %dma_wait3A_67 = tpu.memref_slice %arg2[%mul3A_22, %dma_wait3A_66] : memref<2048x50xi32, #tpu.memory_space<hbm>> -> memref<64x50xi32, #tpu.memory_space<hbm>>
      tpu.wait_dma2 semaphore(%run_scoped3A : memref<!tpu.dma_semaphore, #tpu.memory_space<semaphore_mem>>) src(%dma_wait3A_67 : memref<64x50xi32, #tpu.memory_space<hbm>>) dst(%arg14 : memref<64x50xi32, #tpu.memory_space<vmem>>)
      tpu.yield
    }) : () -> ()
    %mul3A_23 = arith.constant 64 : i32
    %mul3A_24 = arith.muli %add3A, %mul3A_23 : i32
    %scan3A = arith.constant 0 : i32
    %scan3A_25 = arith.constant 0 : i32
    %scan3A_26 = arith.constant 224 : i32
    %scan3A_27 = arith.addi %scan3A_25, %scan3A_26 : i32
    %scan3A_28 = arith.constant 1 : i32
    scf.for %scan3A_60 = %scan3A_25 to %scan3A_27 step %scan3A_28  : i32 {
      %mul3A_61 = arith.constant 16 : i32
      %mul3A_62 = arith.muli %scan3A_60, %mul3A_61 : i32
      %iota3A = tpu.iota {dimensions = array<i32: 0>} : vector<16xi32>
      %add3A_63 = vector.broadcast %mul3A_62 : i32 to vector<16xi32>
      %add3A_64 = arith.addi %add3A_63, %iota3A : vector<16xi32>
      %mul3A_65 = arith.constant 37450 : i32
      %mul3A_66 = vector.broadcast %mul3A_65 : i32 to vector<16xi32>
      %mul3A_67 = arith.muli %add3A_64, %mul3A_66 : vector<16xi32>
      %shift_right_logical3A = arith.constant 21 : i32
      %shift_right_logical3A_68 = vector.broadcast %shift_right_logical3A : i32 to vector<16xi32>
      %shift_right_logical3A_69 = arith.shrui %mul3A_67, %shift_right_logical3A_68 : vector<16xi32>
      %mul3A_70 = arith.constant 56 : i32
      %mul3A_71 = vector.broadcast %mul3A_70 : i32 to vector<16xi32>
      %mul3A_72 = arith.muli %shift_right_logical3A_69, %mul3A_71 : vector<16xi32>
      %sub3A = arith.subi %add3A_64, %mul3A_72 : vector<16xi32>
      %mul3A_73 = arith.constant 6 : i32
      %mul3A_74 = vector.broadcast %mul3A_73 : i32 to vector<16xi32>
      %mul3A_75 = arith.muli %mul3A_74, %shift_right_logical3A_69 : vector<16xi32>
      %sub3A_76 = arith.subi %add3A_64, %mul3A_75 : vector<16xi32>
      %mul3A_77 = arith.constant 41944 : i32
      %mul3A_78 = vector.broadcast %mul3A_77 : i32 to vector<16xi32>
      %mul3A_79 = arith.muli %sub3A_76, %mul3A_78 : vector<16xi32>
      %shift_right_logical3A_80 = arith.constant 21 : i32
      %shift_right_logical3A_81 = vector.broadcast %shift_right_logical3A_80 : i32 to vector<16xi32>
      %shift_right_logical3A_82 = arith.shrui %mul3A_79, %shift_right_logical3A_81 : vector<16xi32>
      %mul3A_83 = arith.constant 50 : i32
      %mul3A_84 = vector.broadcast %mul3A_83 : i32 to vector<16xi32>
      %mul3A_85 = arith.muli %shift_right_logical3A_82, %mul3A_84 : vector<16xi32>
      %sub3A_86 = arith.subi %sub3A_76, %mul3A_85 : vector<16xi32>
      %gather3A = tpu.vector_load_idx %arg14[%shift_right_logical3A_82, %sub3A_86] : memref<64x50xi32, #tpu.memory_space<vmem>>[vector<16xi32>, vector<16xi32>], vector<16xi32>,
      %add3A_87 = vector.broadcast %mul3A_24 : i32 to vector<16xi32>
      %add3A_88 = arith.addi %add3A_87, %shift_right_logical3A_69 : vector<16xi32>
      %mul3A_89 = arith.constant 24 : i32
      %mul3A_90 = vector.broadcast %mul3A_89 : i32 to vector<16xi32>
      %mul3A_91 = arith.muli %add3A_88, %mul3A_90 : vector<16xi32>
      %add3A_92 = arith.constant 1 : i32
      %add3A_93 = vector.broadcast %add3A_92 : i32 to vector<16xi32>
      %add3A_94 = arith.addi %mul3A_91, %add3A_93 : vector<16xi32>
      %ge3A = arith.constant 50 : i32
      %ge3A_95 = vector.broadcast %ge3A : i32 to vector<16xi32>
      %ge3A_96 = arith.cmpi sge, %sub3A, %ge3A_95 : vector<16xi32>
      %select_n3A = arith.select %ge3A_96, %add3A_94, %gather3A : vector<16xi1>, vector<16xi32>
      %mul3A_97 = arith.constant 16 : i32
      %mul3A_98 = arith.muli %scan3A_60, %mul3A_97 : i32
      %swap3A = arith.index_cast %mul3A_98 : i32 to index
      %swap3A_99 = tpu.vector_load %arg15[%swap3A] {strides = array<i32>} : memref<3584xi32, #tpu.memory_space<vmem>>, vector<16xi32>,
      tpu.vector_store %arg15[%swap3A], %select_n3A {strides = array<i32>} : memref<3584xi32, #tpu.memory_space<vmem>>, vector<16xi32>,
    }
    %scan3A_29 = arith.constant 224 : i32
    %mul3A_30 = arith.constant 3584 : i32
    %mul3A_31 = arith.muli %add3A, %mul3A_30 : i32
    %scan3A_32 = arith.constant 0 : i32
    %scan3A_33 = arith.constant 0 : i32
    %scan3A_34 = arith.constant 4 : i32
    %scan3A_35 = arith.addi %scan3A_33, %scan3A_34 : i32
    %scan3A_36 = arith.constant 1 : i32
    scf.for %scan3A_60 = %scan3A_33 to %scan3A_35 step %scan3A_36  : i32 {
      %mul3A_61 = arith.constant 7 : i32
      %mul3A_62 = arith.muli %scan3A_60, %mul3A_61 : i32
      %add3A_63 = arith.constant 0 : i32
      %add3A_64 = arith.addi %mul3A_62, %add3A_63 : i32
      %mul3A_65 = arith.constant 128 : i32
      %mul3A_66 = arith.muli %add3A_64, %mul3A_65 : i32
      %mul3A_67 = arith.constant 7 : i32
      %mul3A_68 = arith.muli %scan3A_60, %mul3A_67 : i32
      %add3A_69 = arith.constant 1 : i32
      %add3A_70 = arith.addi %mul3A_68, %add3A_69 : i32
      %mul3A_71 = arith.constant 128 : i32
      %mul3A_72 = arith.muli %add3A_70, %mul3A_71 : i32
      %mul3A_73 = arith.constant 7 : i32
      %mul3A_74 = arith.muli %scan3A_60, %mul3A_73 : i32
      %add3A_75 = arith.constant 2 : i32
      %add3A_76 = arith.addi %mul3A_74, %add3A_75 : i32
      %mul3A_77 = arith.constant 128 : i32
      %mul3A_78 = arith.muli %add3A_76, %mul3A_77 : i32
      %mul3A_79 = arith.constant 7 : i32
      %mul3A_80 = arith.muli %scan3A_60, %mul3A_79 : i32
      %add3A_81 = arith.constant 3 : i32
      %add3A_82 = arith.addi %mul3A_80, %add3A_81 : i32
      %mul3A_83 = arith.constant 128 : i32
      %mul3A_84 = arith.muli %add3A_82, %mul3A_83 : i32
      %mul3A_85 = arith.constant 7 : i32
      %mul3A_86 = arith.muli %scan3A_60, %mul3A_85 : i32
      %add3A_87 = arith.constant 4 : i32
      %add3A_88 = arith.addi %mul3A_86, %add3A_87 : i32
      %mul3A_89 = arith.constant 128 : i32
      %mul3A_90 = arith.muli %add3A_88, %mul3A_89 : i32
      %mul3A_91 = arith.constant 7 : i32
      %mul3A_92 = arith.muli %scan3A_60, %mul3A_91 : i32
      %add3A_93 = arith.constant 5 : i32
      %add3A_94 = arith.addi %mul3A_92, %add3A_93 : i32
      %mul3A_95 = arith.constant 128 : i32
      %mul3A_96 = arith.muli %add3A_94, %mul3A_95 : i32
      %mul3A_97 = arith.constant 7 : i32
      %mul3A_98 = arith.muli %scan3A_60, %mul3A_97 : i32
      %add3A_99 = arith.constant 6 : i32
      %add3A_100 = arith.addi %mul3A_98, %add3A_99 : i32
      %mul3A_101 = arith.constant 128 : i32
      %mul3A_102 = arith.muli %add3A_100, %mul3A_101 : i32
      %dma_start3A_103 = arith.constant 0 : i32
      %dma_start3A_104 = arith.constant 0 : i32
      %dma_start3A_105 = tpu.memref_slice %arg16[%dma_start3A_103, %dma_start3A_104] : memref<896x64xf32, #tpu.memory_space<vmem>> -> memref<128x64xf32, #tpu.memory_space<vmem>>
      %dma_start3A_106 = tpu.memref_slice %arg15[%mul3A_66] : memref<3584xi32, #tpu.memory_space<vmem>> -> memref<128xi32, #tpu.memory_space<vmem>>
      %dma_start3A_107 = arith.constant 0 : i32
      %dma_start3A_108 = arith.constant 0 : i32
      %dma_start3A_109 = tpu.memref_slice %arg6[%dma_start3A_107, %dma_start3A_108] : memref<100002x64xf32, #tpu.memory_space<hbm>> -> memref<100002x64xf32, #tpu.memory_space<hbm>>
      tpu.enqueue_indirect_dma source(%dma_start3A_109 : memref<100002x64xf32, #tpu.memory_space<hbm>>) target(%dma_start3A_105 : memref<128x64xf32, #tpu.memory_space<vmem>>) offsets(%dma_start3A_106 : memref<128xi32, #tpu.memory_space<vmem>>) semaphore(%arg23 : memref<!tpu.dma_semaphore, #tpu.memory_space<semaphore_mem>>)
      %dma_start3A_110 = arith.constant 128 : i32
      %dma_start3A_111 = arith.constant 0 : i32
      %dma_start3A_112 = tpu.memref_slice %arg16[%dma_start3A_110, %dma_start3A_111] : memref<896x64xf32, #tpu.memory_space<vmem>> -> memref<128x64xf32, #tpu.memory_space<vmem>>
      %dma_start3A_113 = tpu.memref_slice %arg15[%mul3A_72] : memref<3584xi32, #tpu.memory_space<vmem>> -> memref<128xi32, #tpu.memory_space<vmem>>
      %dma_start3A_114 = arith.constant 0 : i32
      %dma_start3A_115 = arith.constant 0 : i32
      %dma_start3A_116 = tpu.memref_slice %arg6[%dma_start3A_114, %dma_start3A_115] : memref<100002x64xf32, #tpu.memory_space<hbm>> -> memref<100002x64xf32, #tpu.memory_space<hbm>>
      tpu.enqueue_indirect_dma source(%dma_start3A_116 : memref<100002x64xf32, #tpu.memory_space<hbm>>) target(%dma_start3A_112 : memref<128x64xf32, #tpu.memory_space<vmem>>) offsets(%dma_start3A_113 : memref<128xi32, #tpu.memory_space<vmem>>) semaphore(%arg23 : memref<!tpu.dma_semaphore, #tpu.memory_space<semaphore_mem>>)
      %dma_start3A_117 = arith.constant 256 : i32
      %dma_start3A_118 = arith.constant 0 : i32
      %dma_start3A_119 = tpu.memref_slice %arg16[%dma_start3A_117, %dma_start3A_118] : memref<896x64xf32, #tpu.memory_space<vmem>> -> memref<128x64xf32, #tpu.memory_space<vmem>>
      %dma_start3A_120 = tpu.memref_slice %arg15[%mul3A_78] : memref<3584xi32, #tpu.memory_space<vmem>> -> memref<128xi32, #tpu.memory_space<vmem>>
      %dma_start3A_121 = arith.constant 0 : i32
      %dma_start3A_122 = arith.constant 0 : i32
      %dma_start3A_123 = tpu.memref_slice %arg6[%dma_start3A_121, %dma_start3A_122] : memref<100002x64xf32, #tpu.memory_space<hbm>> -> memref<100002x64xf32, #tpu.memory_space<hbm>>
      tpu.enqueue_indirect_dma source(%dma_start3A_123 : memref<100002x64xf32, #tpu.memory_space<hbm>>) target(%dma_start3A_119 : memref<128x64xf32, #tpu.memory_space<vmem>>) offsets(%dma_start3A_120 : memref<128xi32, #tpu.memory_space<vmem>>) semaphore(%arg23 : memref<!tpu.dma_semaphore, #tpu.memory_space<semaphore_mem>>)
      %dma_start3A_124 = arith.constant 384 : i32
      %dma_start3A_125 = arith.constant 0 : i32
      %dma_start3A_126 = tpu.memref_slice %arg16[%dma_start3A_124, %dma_start3A_125] : memref<896x64xf32, #tpu.memory_space<vmem>> -> memref<128x64xf32, #tpu.memory_space<vmem>>
      %dma_start3A_127 = tpu.memref_slice %arg15[%mul3A_84] : memref<3584xi32, #tpu.memory_space<vmem>> -> memref<128xi32, #tpu.memory_space<vmem>>
      %dma_start3A_128 = arith.constant 0 : i32
      %dma_start3A_129 = arith.constant 0 : i32
      %dma_start3A_130 = tpu.memref_slice %arg6[%dma_start3A_128, %dma_start3A_129] : memref<100002x64xf32, #tpu.memory_space<hbm>> -> memref<100002x64xf32, #tpu.memory_space<hbm>>
      tpu.enqueue_indirect_dma source(%dma_start3A_130 : memref<100002x64xf32, #tpu.memory_space<hbm>>) target(%dma_start3A_126 : memref<128x64xf32, #tpu.memory_space<vmem>>) offsets(%dma_start3A_127 : memref<128xi32, #tpu.memory_space<vmem>>) semaphore(%arg23 : memref<!tpu.dma_semaphore, #tpu.memory_space<semaphore_mem>>)
      %dma_start3A_131 = arith.constant 512 : i32
      %dma_start3A_132 = arith.constant 0 : i32
      %dma_start3A_133 = tpu.memref_slice %arg16[%dma_start3A_131, %dma_start3A_132] : memref<896x64xf32, #tpu.memory_space<vmem>> -> memref<128x64xf32, #tpu.memory_space<vmem>>
      %dma_start3A_134 = tpu.memref_slice %arg15[%mul3A_90] : memref<3584xi32, #tpu.memory_space<vmem>> -> memref<128xi32, #tpu.memory_space<vmem>>
      %dma_start3A_135 = arith.constant 0 : i32
      %dma_start3A_136 = arith.constant 0 : i32
      %dma_start3A_137 = tpu.memref_slice %arg6[%dma_start3A_135, %dma_start3A_136] : memref<100002x64xf32, #tpu.memory_space<hbm>> -> memref<100002x64xf32, #tpu.memory_space<hbm>>
      tpu.enqueue_indirect_dma source(%dma_start3A_137 : memref<100002x64xf32, #tpu.memory_space<hbm>>) target(%dma_start3A_133 : memref<128x64xf32, #tpu.memory_space<vmem>>) offsets(%dma_start3A_134 : memref<128xi32, #tpu.memory_space<vmem>>) semaphore(%arg23 : memref<!tpu.dma_semaphore, #tpu.memory_space<semaphore_mem>>)
      %dma_start3A_138 = arith.constant 640 : i32
      %dma_start3A_139 = arith.constant 0 : i32
      %dma_start3A_140 = tpu.memref_slice %arg16[%dma_start3A_138, %dma_start3A_139] : memref<896x64xf32, #tpu.memory_space<vmem>> -> memref<128x64xf32, #tpu.memory_space<vmem>>
      %dma_start3A_141 = tpu.memref_slice %arg15[%mul3A_96] : memref<3584xi32, #tpu.memory_space<vmem>> -> memref<128xi32, #tpu.memory_space<vmem>>
      %dma_start3A_142 = arith.constant 0 : i32
      %dma_start3A_143 = arith.constant 0 : i32
      %dma_start3A_144 = tpu.memref_slice %arg6[%dma_start3A_142, %dma_start3A_143] : memref<100002x64xf32, #tpu.memory_space<hbm>> -> memref<100002x64xf32, #tpu.memory_space<hbm>>
      tpu.enqueue_indirect_dma source(%dma_start3A_144 : memref<100002x64xf32, #tpu.memory_space<hbm>>) target(%dma_start3A_140 : memref<128x64xf32, #tpu.memory_space<vmem>>) offsets(%dma_start3A_141 : memref<128xi32, #tpu.memory_space<vmem>>) semaphore(%arg23 : memref<!tpu.dma_semaphore, #tpu.memory_space<semaphore_mem>>)
      %dma_start3A_145 = arith.constant 768 : i32
      %dma_start3A_146 = arith.constant 0 : i32
      %dma_start3A_147 = tpu.memref_slice %arg16[%dma_start3A_145, %dma_start3A_146] : memref<896x64xf32, #tpu.memory_space<vmem>> -> memref<128x64xf32, #tpu.memory_space<vmem>>
      %dma_start3A_148 = tpu.memref_slice %arg15[%mul3A_102] : memref<3584xi32, #tpu.memory_space<vmem>> -> memref<128xi32, #tpu.memory_space<vmem>>
      %dma_start3A_149 = arith.constant 0 : i32
      %dma_start3A_150 = arith.constant 0 : i32
      %dma_start3A_151 = tpu.memref_slice %arg6[%dma_start3A_149, %dma_start3A_150] : memref<100002x64xf32, #tpu.memory_space<hbm>> -> memref<100002x64xf32, #tpu.memory_space<hbm>>
      tpu.enqueue_indirect_dma source(%dma_start3A_151 : memref<100002x64xf32, #tpu.memory_space<hbm>>) target(%dma_start3A_147 : memref<128x64xf32, #tpu.memory_space<vmem>>) offsets(%dma_start3A_148 : memref<128xi32, #tpu.memory_space<vmem>>) semaphore(%arg23 : memref<!tpu.dma_semaphore, #tpu.memory_space<semaphore_mem>>)
      %dma_wait3A_152 = arith.constant 0 : i32
      %dma_wait3A_153 = arith.constant 0 : i32
      %dma_wait3A_154 = tpu.memref_slice %arg16[%dma_wait3A_152, %dma_wait3A_153] : memref<896x64xf32, #tpu.memory_space<vmem>> -> memref<128x64xf32, #tpu.memory_space<vmem>>
      %dma_wait3A_155 = tpu.memref_slice %arg15[%mul3A_66] : memref<3584xi32, #tpu.memory_space<vmem>> -> memref<128xi32, #tpu.memory_space<vmem>>
      %dma_wait3A_156 = arith.constant 0 : i32
      %dma_wait3A_157 = arith.constant 0 : i32
      %dma_wait3A_158 = tpu.memref_slice %arg6[%dma_wait3A_156, %dma_wait3A_157] : memref<100002x64xf32, #tpu.memory_space<hbm>> -> memref<100002x64xf32, #tpu.memory_space<hbm>>
      tpu.wait_indirect_dma semaphore(%arg23 : memref<!tpu.dma_semaphore, #tpu.memory_space<semaphore_mem>>) src(%dma_wait3A_158 : memref<100002x64xf32, #tpu.memory_space<hbm>>) dst(%dma_wait3A_154 : memref<128x64xf32, #tpu.memory_space<vmem>>)
      %dma_wait3A_159 = arith.constant 128 : i32
      %dma_wait3A_160 = arith.constant 0 : i32
      %dma_wait3A_161 = tpu.memref_slice %arg16[%dma_wait3A_159, %dma_wait3A_160] : memref<896x64xf32, #tpu.memory_space<vmem>> -> memref<128x64xf32, #tpu.memory_space<vmem>>
      %dma_wait3A_162 = tpu.memref_slice %arg15[%mul3A_72] : memref<3584xi32, #tpu.memory_space<vmem>> -> memref<128xi32, #tpu.memory_space<vmem>>
      %dma_wait3A_163 = arith.constant 0 : i32
      %dma_wait3A_164 = arith.constant 0 : i32
      %dma_wait3A_165 = tpu.memref_slice %arg6[%dma_wait3A_163, %dma_wait3A_164] : memref<100002x64xf32, #tpu.memory_space<hbm>> -> memref<100002x64xf32, #tpu.memory_space<hbm>>
      tpu.wait_indirect_dma semaphore(%arg23 : memref<!tpu.dma_semaphore, #tpu.memory_space<semaphore_mem>>) src(%dma_wait3A_165 : memref<100002x64xf32, #tpu.memory_space<hbm>>) dst(%dma_wait3A_161 : memref<128x64xf32, #tpu.memory_space<vmem>>)
      %dma_wait3A_166 = arith.constant 256 : i32
      %dma_wait3A_167 = arith.constant 0 : i32
      %dma_wait3A_168 = tpu.memref_slice %arg16[%dma_wait3A_166, %dma_wait3A_167] : memref<896x64xf32, #tpu.memory_space<vmem>> -> memref<128x64xf32, #tpu.memory_space<vmem>>
      %dma_wait3A_169 = tpu.memref_slice %arg15[%mul3A_78] : memref<3584xi32, #tpu.memory_space<vmem>> -> memref<128xi32, #tpu.memory_space<vmem>>
      %dma_wait3A_170 = arith.constant 0 : i32
      %dma_wait3A_171 = arith.constant 0 : i32
      %dma_wait3A_172 = tpu.memref_slice %arg6[%dma_wait3A_170, %dma_wait3A_171] : memref<100002x64xf32, #tpu.memory_space<hbm>> -> memref<100002x64xf32, #tpu.memory_space<hbm>>
      tpu.wait_indirect_dma semaphore(%arg23 : memref<!tpu.dma_semaphore, #tpu.memory_space<semaphore_mem>>) src(%dma_wait3A_172 : memref<100002x64xf32, #tpu.memory_space<hbm>>) dst(%dma_wait3A_168 : memref<128x64xf32, #tpu.memory_space<vmem>>)
      %dma_wait3A_173 = arith.constant 384 : i32
      %dma_wait3A_174 = arith.constant 0 : i32
      %dma_wait3A_175 = tpu.memref_slice %arg16[%dma_wait3A_173, %dma_wait3A_174] : memref<896x64xf32, #tpu.memory_space<vmem>> -> memref<128x64xf32, #tpu.memory_space<vmem>>
      %dma_wait3A_176 = tpu.memref_slice %arg15[%mul3A_84] : memref<3584xi32, #tpu.memory_space<vmem>> -> memref<128xi32, #tpu.memory_space<vmem>>
      %dma_wait3A_177 = arith.constant 0 : i32
      %dma_wait3A_178 = arith.constant 0 : i32
      %dma_wait3A_179 = tpu.memref_slice %arg6[%dma_wait3A_177, %dma_wait3A_178] : memref<100002x64xf32, #tpu.memory_space<hbm>> -> memref<100002x64xf32, #tpu.memory_space<hbm>>
      tpu.wait_indirect_dma semaphore(%arg23 : memref<!tpu.dma_semaphore, #tpu.memory_space<semaphore_mem>>) src(%dma_wait3A_179 : memref<100002x64xf32, #tpu.memory_space<hbm>>) dst(%dma_wait3A_175 : memref<128x64xf32, #tpu.memory_space<vmem>>)
      %dma_wait3A_180 = arith.constant 512 : i32
      %dma_wait3A_181 = arith.constant 0 : i32
      %dma_wait3A_182 = tpu.memref_slice %arg16[%dma_wait3A_180, %dma_wait3A_181] : memref<896x64xf32, #tpu.memory_space<vmem>> -> memref<128x64xf32, #tpu.memory_space<vmem>>
      %dma_wait3A_183 = tpu.memref_slice %arg15[%mul3A_90] : memref<3584xi32, #tpu.memory_space<vmem>> -> memref<128xi32, #tpu.memory_space<vmem>>
      %dma_wait3A_184 = arith.constant 0 : i32
      %dma_wait3A_185 = arith.constant 0 : i32
      %dma_wait3A_186 = tpu.memref_slice %arg6[%dma_wait3A_184, %dma_wait3A_185] : memref<100002x64xf32, #tpu.memory_space<hbm>> -> memref<100002x64xf32, #tpu.memory_space<hbm>>
      tpu.wait_indirect_dma semaphore(%arg23 : memref<!tpu.dma_semaphore, #tpu.memory_space<semaphore_mem>>) src(%dma_wait3A_186 : memref<100002x64xf32, #tpu.memory_space<hbm>>) dst(%dma_wait3A_182 : memref<128x64xf32, #tpu.memory_space<vmem>>)
      %dma_wait3A_187 = arith.constant 640 : i32
      %dma_wait3A_188 = arith.constant 0 : i32
      %dma_wait3A_189 = tpu.memref_slice %arg16[%dma_wait3A_187, %dma_wait3A_188] : memref<896x64xf32, #tpu.memory_space<vmem>> -> memref<128x64xf32, #tpu.memory_space<vmem>>
      %dma_wait3A_190 = tpu.memref_slice %arg15[%mul3A_96] : memref<3584xi32, #tpu.memory_space<vmem>> -> memref<128xi32, #tpu.memory_space<vmem>>
      %dma_wait3A_191 = arith.constant 0 : i32
      %dma_wait3A_192 = arith.constant 0 : i32
      %dma_wait3A_193 = tpu.memref_slice %arg6[%dma_wait3A_191, %dma_wait3A_192] : memref<100002x64xf32, #tpu.memory_space<hbm>> -> memref<100002x64xf32, #tpu.memory_space<hbm>>
      tpu.wait_indirect_dma semaphore(%arg23 : memref<!tpu.dma_semaphore, #tpu.memory_space<semaphore_mem>>) src(%dma_wait3A_193 : memref<100002x64xf32, #tpu.memory_space<hbm>>) dst(%dma_wait3A_189 : memref<128x64xf32, #tpu.memory_space<vmem>>)
      %dma_wait3A_194 = arith.constant 768 : i32
      %dma_wait3A_195 = arith.constant 0 : i32
      %dma_wait3A_196 = tpu.memref_slice %arg16[%dma_wait3A_194, %dma_wait3A_195] : memref<896x64xf32, #tpu.memory_space<vmem>> -> memref<128x64xf32, #tpu.memory_space<vmem>>
      %dma_wait3A_197 = tpu.memref_slice %arg15[%mul3A_102] : memref<3584xi32, #tpu.memory_space<vmem>> -> memref<128xi32, #tpu.memory_space<vmem>>
      %dma_wait3A_198 = arith.constant 0 : i32
      %dma_wait3A_199 = arith.constant 0 : i32
      %dma_wait3A_200 = tpu.memref_slice %arg6[%dma_wait3A_198, %dma_wait3A_199] : memref<100002x64xf32, #tpu.memory_space<hbm>> -> memref<100002x64xf32, #tpu.memory_space<hbm>>
      tpu.wait_indirect_dma semaphore(%arg23 : memref<!tpu.dma_semaphore, #tpu.memory_space<semaphore_mem>>) src(%dma_wait3A_200 : memref<100002x64xf32, #tpu.memory_space<hbm>>) dst(%dma_wait3A_196 : memref<128x64xf32, #tpu.memory_space<vmem>>)
      %mul3A_201 = arith.constant 896 : i32
      %mul3A_202 = arith.muli %scan3A_60, %mul3A_201 : i32
      %add3A_203 = arith.addi %mul3A_31, %mul3A_202 : i32
      "tpu.region"() ({
        %run_scoped3A = tpu.sem_alloc : memref<!tpu.dma_semaphore, #tpu.memory_space<semaphore_mem>>
        %dma_start3A_204 = arith.constant 0 : i32
        %dma_start3A_205 = tpu.memref_slice %arg10[%add3A_203, %dma_start3A_204] : memref<114688x64xf32, #tpu.memory_space<hbm>> -> memref<896x64xf32, #tpu.memory_space<hbm>>
        %dma_start3A_206 = arith.constant 0 : i32
        %dma_start3A_207 = tpu.memref_slice %arg10[%add3A_203, %dma_start3A_206] : memref<114688x64xf32, #tpu.memory_space<hbm>> -> memref<896x64xf32, #tpu.memory_space<hbm>>
        tpu.enqueue_dma source(%arg16 : memref<896x64xf32, #tpu.memory_space<vmem>>) target(%dma_start3A_207 : memref<896x64xf32, #tpu.memory_space<hbm>>) target_semaphore(%run_scoped3A : memref<!tpu.dma_semaphore, #tpu.memory_space<semaphore_mem>>)
        %dma_wait3A_208 = arith.constant 0 : i32
        %dma_wait3A_209 = tpu.memref_slice %arg10[%add3A_203, %dma_wait3A_208] : memref<114688x64xf32, #tpu.memory_space<hbm>> -> memref<896x64xf32, #tpu.memory_space<hbm>>
        %dma_wait3A_210 = arith.constant 0 : i32
        %dma_wait3A_211 = tpu.memref_slice %arg10[%add3A_203, %dma_wait3A_210] : memref<114688x64xf32, #tpu.memory_space<hbm>> -> memref<896x64xf32, #tpu.memory_space<hbm>>
        tpu.wait_dma2 semaphore(%run_scoped3A : memref<!tpu.dma_semaphore, #tpu.memory_space<semaphore_mem>>) src(%arg16 : memref<896x64xf32, #tpu.memory_space<vmem>>) dst(%dma_wait3A_211 : memref<896x64xf32, #tpu.memory_space<hbm>>)
        tpu.yield
      }) : () -> ()
    }
    %scan3A_37 = arith.constant 4 : i32
    %dma_wait3A = arith.constant 0 : i32
    %dma_wait3A_38 = arith.constant 0 : i32
    %dma_wait3A_39 = tpu.memref_slice %arg17[%dma_wait3A, %dma_wait3A_38] : memref<1x64xi32, #tpu.memory_space<vmem>> -> memref<1x64xi32, #tpu.memory_space<vmem>>
    %dma_wait3A_40 = tpu.memref_squeeze %dma_wait3A_39 : memref<1x64xi32, #tpu.memory_space<vmem>> -> memref<64xi32, #tpu.memory_space<vmem>>
    %dma_wait3A_41 = arith.constant 0 : i32
    %dma_wait3A_42 = arith.constant 0 : i32
    %dma_wait3A_43 = tpu.memref_slice %arg7[%dma_wait3A_41, %dma_wait3A_42] : memref<100001x64xf32, #tpu.memory_space<hbm>> -> memref<100001x64xf32, #tpu.memory_space<hbm>>
    tpu.wait_indirect_dma semaphore(%arg24 : memref<!tpu.dma_semaphore, #tpu.memory_space<semaphore_mem>>) src(%dma_wait3A_43 : memref<100001x64xf32, #tpu.memory_space<hbm>>) dst(%arg18 : memref<64x64xf32, #tpu.memory_space<vmem>>)
    %dma_wait3A_44 = arith.constant 0 : i32
    %dma_wait3A_45 = arith.constant 0 : i32
    %dma_wait3A_46 = tpu.memref_slice %arg19[%dma_wait3A_44, %dma_wait3A_45] : memref<1x64xi32, #tpu.memory_space<vmem>> -> memref<1x64xi32, #tpu.memory_space<vmem>>
    %dma_wait3A_47 = tpu.memref_squeeze %dma_wait3A_46 : memref<1x64xi32, #tpu.memory_space<vmem>> -> memref<64xi32, #tpu.memory_space<vmem>>
    %dma_wait3A_48 = arith.constant 0 : i32
    %dma_wait3A_49 = arith.constant 0 : i32
    %dma_wait3A_50 = tpu.memref_slice %arg8[%dma_wait3A_48, %dma_wait3A_49] : memref<25x16xf32, #tpu.memory_space<hbm>> -> memref<25x16xf32, #tpu.memory_space<hbm>>
    tpu.wait_indirect_dma semaphore(%arg24 : memref<!tpu.dma_semaphore, #tpu.memory_space<semaphore_mem>>) src(%dma_wait3A_50 : memref<25x16xf32, #tpu.memory_space<hbm>>) dst(%arg20 : memref<64x16xf32, #tpu.memory_space<vmem>>)
    %dma_wait3A_51 = arith.constant 0 : i32
    %dma_wait3A_52 = arith.constant 0 : i32
    %dma_wait3A_53 = tpu.memref_slice %arg21[%dma_wait3A_51, %dma_wait3A_52] : memref<1x64xi32, #tpu.memory_space<vmem>> -> memref<1x64xi32, #tpu.memory_space<vmem>>
    %dma_wait3A_54 = tpu.memref_squeeze %dma_wait3A_53 : memref<1x64xi32, #tpu.memory_space<vmem>> -> memref<64xi32, #tpu.memory_space<vmem>>
    %dma_wait3A_55 = arith.constant 0 : i32
    %dma_wait3A_56 = arith.constant 0 : i32
    %dma_wait3A_57 = tpu.memref_slice %arg9[%dma_wait3A_55, %dma_wait3A_56] : memref<8x16xf32, #tpu.memory_space<hbm>> -> memref<8x16xf32, #tpu.memory_space<hbm>>
    tpu.wait_indirect_dma semaphore(%arg24 : memref<!tpu.dma_semaphore, #tpu.memory_space<semaphore_mem>>) src(%dma_wait3A_57 : memref<8x16xf32, #tpu.memory_space<hbm>>) dst(%arg22 : memref<64x16xf32, #tpu.memory_space<vmem>>)
    %mul3A_58 = arith.constant 64 : i32
    %mul3A_59 = arith.muli %add3A, %mul3A_58 : i32
    "tpu.region"() ({
      %run_scoped3A = tpu.sem_alloc : memref<!tpu.dma_semaphore, #tpu.memory_space<semaphore_mem>>
      %dma_start3A_60 = arith.constant 0 : i32
      %dma_start3A_61 = tpu.memref_slice %arg11[%mul3A_59, %dma_start3A_60] : memref<2048x64xf32, #tpu.memory_space<hbm>> -> memref<64x64xf32, #tpu.memory_space<hbm>>
      %dma_start3A_62 = arith.constant 0 : i32
      %dma_start3A_63 = tpu.memref_slice %arg11[%mul3A_59, %dma_start3A_62] : memref<2048x64xf32, #tpu.memory_space<hbm>> -> memref<64x64xf32, #tpu.memory_space<hbm>>
      tpu.enqueue_dma source(%arg18 : memref<64x64xf32, #tpu.memory_space<vmem>>) target(%dma_start3A_63 : memref<64x64xf32, #tpu.memory_space<hbm>>) target_semaphore(%run_scoped3A : memref<!tpu.dma_semaphore, #tpu.memory_space<semaphore_mem>>)
      %dma_wait3A_64 = arith.constant 0 : i32
      %dma_wait3A_65 = tpu.memref_slice %arg11[%mul3A_59, %dma_wait3A_64] : memref<2048x64xf32, #tpu.memory_space<hbm>> -> memref<64x64xf32, #tpu.memory_space<hbm>>
      %dma_wait3A_66 = arith.constant 0 : i32
      %dma_wait3A_67 = tpu.memref_slice %arg11[%mul3A_59, %dma_wait3A_66] : memref<2048x64xf32, #tpu.memory_space<hbm>> -> memref<64x64xf32, #tpu.memory_space<hbm>>
      tpu.wait_dma2 semaphore(%run_scoped3A : memref<!tpu.dma_semaphore, #tpu.memory_space<semaphore_mem>>) src(%arg18 : memref<64x64xf32, #tpu.memory_space<vmem>>) dst(%dma_wait3A_67 : memref<64x64xf32, #tpu.memory_space<hbm>>)
      tpu.yield
    }) : () -> ()
    "tpu.region"() ({
      %run_scoped3A = tpu.sem_alloc : memref<!tpu.dma_semaphore, #tpu.memory_space<semaphore_mem>>
      %dma_start3A_60 = arith.constant 0 : i32
      %dma_start3A_61 = tpu.memref_slice %arg12[%mul3A_59, %dma_start3A_60] : memref<2048x16xf32, #tpu.memory_space<hbm>> -> memref<64x16xf32, #tpu.memory_space<hbm>>
      %dma_start3A_62 = arith.constant 0 : i32
      %dma_start3A_63 = tpu.memref_slice %arg12[%mul3A_59, %dma_start3A_62] : memref<2048x16xf32, #tpu.memory_space<hbm>> -> memref<64x16xf32, #tpu.memory_space<hbm>>
      tpu.enqueue_dma source(%arg20 : memref<64x16xf32, #tpu.memory_space<vmem>>) target(%dma_start3A_63 : memref<64x16xf32, #tpu.memory_space<hbm>>) target_semaphore(%run_scoped3A : memref<!tpu.dma_semaphore, #tpu.memory_space<semaphore_mem>>)
      %dma_wait3A_64 = arith.constant 0 : i32
      %dma_wait3A_65 = tpu.memref_slice %arg12[%mul3A_59, %dma_wait3A_64] : memref<2048x16xf32, #tpu.memory_space<hbm>> -> memref<64x16xf32, #tpu.memory_space<hbm>>
      %dma_wait3A_66 = arith.constant 0 : i32
      %dma_wait3A_67 = tpu.memref_slice %arg12[%mul3A_59, %dma_wait3A_66] : memref<2048x16xf32, #tpu.memory_space<hbm>> -> memref<64x16xf32, #tpu.memory_space<hbm>>
      tpu.wait_dma2 semaphore(%run_scoped3A : memref<!tpu.dma_semaphore, #tpu.memory_space<semaphore_mem>>) src(%arg20 : memref<64x16xf32, #tpu.memory_space<vmem>>) dst(%dma_wait3A_67 : memref<64x16xf32, #tpu.memory_space<hbm>>)
      tpu.yield
    }) : () -> ()
    "tpu.region"() ({
      %run_scoped3A = tpu.sem_alloc : memref<!tpu.dma_semaphore, #tpu.memory_space<semaphore_mem>>
      %dma_start3A_60 = arith.constant 0 : i32
      %dma_start3A_61 = tpu.memref_slice %arg13[%mul3A_59, %dma_start3A_60] : memref<2048x16xf32, #tpu.memory_space<hbm>> -> memref<64x16xf32, #tpu.memory_space<hbm>>
      %dma_start3A_62 = arith.constant 0 : i32
      %dma_start3A_63 = tpu.memref_slice %arg13[%mul3A_59, %dma_start3A_62] : memref<2048x16xf32, #tpu.memory_space<hbm>> -> memref<64x16xf32, #tpu.memory_space<hbm>>
      tpu.enqueue_dma source(%arg22 : memref<64x16xf32, #tpu.memory_space<vmem>>) target(%dma_start3A_63 : memref<64x16xf32, #tpu.memory_space<hbm>>) target_semaphore(%run_scoped3A : memref<!tpu.dma_semaphore, #tpu.memory_space<semaphore_mem>>)
      %dma_wait3A_64 = arith.constant 0 : i32
      %dma_wait3A_65 = tpu.memref_slice %arg13[%mul3A_59, %dma_wait3A_64] : memref<2048x16xf32, #tpu.memory_space<hbm>> -> memref<64x16xf32, #tpu.memory_space<hbm>>
      %dma_wait3A_66 = arith.constant 0 : i32
      %dma_wait3A_67 = tpu.memref_slice %arg13[%mul3A_59, %dma_wait3A_66] : memref<2048x16xf32, #tpu.memory_space<hbm>> -> memref<64x16xf32, #tpu.memory_space<hbm>>
      tpu.wait_dma2 semaphore(%run_scoped3A : memref<!tpu.dma_semaphore, #tpu.memory_space<semaphore_mem>>) src(%arg22 : memref<64x16xf32, #tpu.memory_space<vmem>>) dst(%dma_wait3A_67 : memref<64x16xf32, #tpu.memory_space<hbm>>)
      tpu.yield
    }) : () -> ()
    return
  }
}

#map = affine_map<(d0, d1) -> (0, 0)>
#map1 = affine_map<(d0, d1) -> (0, 0, 0)>
module attributes {stable_mosaic.version = 14 : i64} {
  func.func @sc_gather(%arg0: i32, %arg1: i32, %arg2: memref<2048x50xi32, #tpu.memory_space<hbm>>, %arg3: memref<32x1x64xi32, #tpu.memory_space<hbm>>, %arg4: memref<32x1x64xi32, #tpu.memory_space<hbm>>, %arg5: memref<32x1x64xi32, #tpu.memory_space<hbm>>, %arg6: memref<100002x64xf32, #tpu.memory_space<hbm>>, %arg7: memref<100001x64xf32, #tpu.memory_space<hbm>>, %arg8: memref<25x16xf32, #tpu.memory_space<hbm>>, %arg9: memref<8x16xf32, #tpu.memory_space<hbm>>, %arg10: memref<114688x64xf32, #tpu.memory_space<hbm>>, %arg11: memref<2048x64xf32, #tpu.memory_space<hbm>>, %arg12: memref<2048x16xf32, #tpu.memory_space<hbm>>, %arg13: memref<2048x16xf32, #tpu.memory_space<hbm>>, %arg14: memref<64x50xi32, #tpu.memory_space<vmem>>, %arg15: memref<3584xi32, #tpu.memory_space<vmem>>, %arg16: memref<896x64xf32, #tpu.memory_space<vmem>>, %arg17: memref<1x64xi32, #tpu.memory_space<vmem>>, %arg18: memref<64x64xf32, #tpu.memory_space<vmem>>, %arg19: memref<1x64xi32, #tpu.memory_space<vmem>>, %arg20: memref<64x16xf32, #tpu.memory_space<vmem>>, %arg21: memref<1x64xi32, #tpu.memory_space<vmem>>, %arg22: memref<64x16xf32, #tpu.memory_space<vmem>>, %arg23: memref<!tpu.dma_semaphore, #tpu.memory_space<semaphore_mem>>, %arg24: memref<!tpu.dma_semaphore, #tpu.memory_space<semaphore_mem>>) attributes {dimension_semantics = [#tpu.dimension_semantics<core_parallel>, #tpu.dimension_semantics<subcore_parallel>], iteration_bounds = array<i64: 2, 16>, scalar_prefetch = 0 : i64, scratch_operands = 11 : i64, tpu.core_type = #tpu.core_type<sc_vector_subcore>, window_params = [{transform_indices = #map}, {transform_indices = #map1}, {transform_indices = #map1}, {transform_indices = #map1}, {transform_indices = #map}, {transform_indices = #map}, {transform_indices = #map}, {transform_indices = #map}, {transform_indices = #map}, {transform_indices = #map}, {transform_indices = #map}, {transform_indices = #map}]} {
    %mul3A = arith.constant 2 : i32
    %mul3A_0 = arith.muli %arg1, %mul3A : i32
    %add3A = arith.addi %mul3A_0, %arg0 : i32
    "tpu.region"() ({
      %run_scoped3A = tpu.sem_alloc : memref<!tpu.dma_semaphore, #tpu.memory_space<semaphore_mem>>
      %dma_start3A_60 = arith.constant 0 : i32
      %dma_start3A_61 = arith.constant 0 : i32
      %dma_start3A_62 = tpu.memref_slice %arg3[%add3A, %dma_start3A_60, %dma_start3A_61] : memref<32x1x64xi32, #tpu.memory_space<hbm>> -> memref<1x1x64xi32, #tpu.memory_space<hbm>>
      %dma_start3A_63 = tpu.memref_squeeze %dma_start3A_62 : memref<1x1x64xi32, #tpu.memory_space<hbm>> -> memref<1x64xi32, #tpu.memory_space<hbm>>
      %dma_start3A_64 = arith.constant 0 : i32
      %dma_start3A_65 = arith.constant 0 : i32
      %dma_start3A_66 = tpu.memref_slice %arg3[%add3A, %dma_start3A_64, %dma_start3A_65] : memref<32x1x64xi32, #tpu.memory_space<hbm>> -> memref<1x1x64xi32, #tpu.memory_space<hbm>>
      %dma_start3A_67 = tpu.memref_squeeze %dma_start3A_66 : memref<1x1x64xi32, #tpu.memory_space<hbm>> -> memref<1x64xi32, #tpu.memory_space<hbm>>
      tpu.enqueue_dma source(%dma_start3A_67 : memref<1x64xi32, #tpu.memory_space<hbm>>) target(%arg17 : memref<1x64xi32, #tpu.memory_space<vmem>>) target_semaphore(%run_scoped3A : memref<!tpu.dma_semaphore, #tpu.memory_space<semaphore_mem>>)
      %dma_wait3A_68 = arith.constant 0 : i32
      %dma_wait3A_69 = arith.constant 0 : i32
      %dma_wait3A_70 = tpu.memref_slice %arg3[%add3A, %dma_wait3A_68, %dma_wait3A_69] : memref<32x1x64xi32, #tpu.memory_space<hbm>> -> memref<1x1x64xi32, #tpu.memory_space<hbm>>
      %dma_wait3A_71 = tpu.memref_squeeze %dma_wait3A_70 : memref<1x1x64xi32, #tpu.memory_space<hbm>> -> memref<1x64xi32, #tpu.memory_space<hbm>>
      %dma_wait3A_72 = arith.constant 0 : i32
      %dma_wait3A_73 = arith.constant 0 : i32
      %dma_wait3A_74 = tpu.memref_slice %arg3[%add3A, %dma_wait3A_72, %dma_wait3A_73] : memref<32x1x64xi32, #tpu.memory_space<hbm>> -> memref<1x1x64xi32, #tpu.memory_space<hbm>>
      %dma_wait3A_75 = tpu.memref_squeeze %dma_wait3A_74 : memref<1x1x64xi32, #tpu.memory_space<hbm>> -> memref<1x64xi32, #tpu.memory_space<hbm>>
      tpu.wait_dma2 semaphore(%run_scoped3A : memref<!tpu.dma_semaphore, #tpu.memory_space<semaphore_mem>>) src(%dma_wait3A_75 : memref<1x64xi32, #tpu.memory_space<hbm>>) dst(%arg17 : memref<1x64xi32, #tpu.memory_space<vmem>>)
      tpu.yield
    }) : () -> ()
    "tpu.region"() ({
      %run_scoped3A = tpu.sem_alloc : memref<!tpu.dma_semaphore, #tpu.memory_space<semaphore_mem>>
      %dma_start3A_60 = arith.constant 0 : i32
      %dma_start3A_61 = arith.constant 0 : i32
      %dma_start3A_62 = tpu.memref_slice %arg4[%add3A, %dma_start3A_60, %dma_start3A_61] : memref<32x1x64xi32, #tpu.memory_space<hbm>> -> memref<1x1x64xi32, #tpu.memory_space<hbm>>
      %dma_start3A_63 = tpu.memref_squeeze %dma_start3A_62 : memref<1x1x64xi32, #tpu.memory_space<hbm>> -> memref<1x64xi32, #tpu.memory_space<hbm>>
      %dma_start3A_64 = arith.constant 0 : i32
      %dma_start3A_65 = arith.constant 0 : i32
      %dma_start3A_66 = tpu.memref_slice %arg4[%add3A, %dma_start3A_64, %dma_start3A_65] : memref<32x1x64xi32, #tpu.memory_space<hbm>> -> memref<1x1x64xi32, #tpu.memory_space<hbm>>
      %dma_start3A_67 = tpu.memref_squeeze %dma_start3A_66 : memref<1x1x64xi32, #tpu.memory_space<hbm>> -> memref<1x64xi32, #tpu.memory_space<hbm>>
      tpu.enqueue_dma source(%dma_start3A_67 : memref<1x64xi32, #tpu.memory_space<hbm>>) target(%arg19 : memref<1x64xi32, #tpu.memory_space<vmem>>) target_semaphore(%run_scoped3A : memref<!tpu.dma_semaphore, #tpu.memory_space<semaphore_mem>>)
      %dma_wait3A_68 = arith.constant 0 : i32
      %dma_wait3A_69 = arith.constant 0 : i32
      %dma_wait3A_70 = tpu.memref_slice %arg4[%add3A, %dma_wait3A_68, %dma_wait3A_69] : memref<32x1x64xi32, #tpu.memory_space<hbm>> -> memref<1x1x64xi32, #tpu.memory_space<hbm>>
      %dma_wait3A_71 = tpu.memref_squeeze %dma_wait3A_70 : memref<1x1x64xi32, #tpu.memory_space<hbm>> -> memref<1x64xi32, #tpu.memory_space<hbm>>
      %dma_wait3A_72 = arith.constant 0 : i32
      %dma_wait3A_73 = arith.constant 0 : i32
      %dma_wait3A_74 = tpu.memref_slice %arg4[%add3A, %dma_wait3A_72, %dma_wait3A_73] : memref<32x1x64xi32, #tpu.memory_space<hbm>> -> memref<1x1x64xi32, #tpu.memory_space<hbm>>
      %dma_wait3A_75 = tpu.memref_squeeze %dma_wait3A_74 : memref<1x1x64xi32, #tpu.memory_space<hbm>> -> memref<1x64xi32, #tpu.memory_space<hbm>>
      tpu.wait_dma2 semaphore(%run_scoped3A : memref<!tpu.dma_semaphore, #tpu.memory_space<semaphore_mem>>) src(%dma_wait3A_75 : memref<1x64xi32, #tpu.memory_space<hbm>>) dst(%arg19 : memref<1x64xi32, #tpu.memory_space<vmem>>)
      tpu.yield
    }) : () -> ()
    "tpu.region"() ({
      %run_scoped3A = tpu.sem_alloc : memref<!tpu.dma_semaphore, #tpu.memory_space<semaphore_mem>>
      %dma_start3A_60 = arith.constant 0 : i32
      %dma_start3A_61 = arith.constant 0 : i32
      %dma_start3A_62 = tpu.memref_slice %arg5[%add3A, %dma_start3A_60, %dma_start3A_61] : memref<32x1x64xi32, #tpu.memory_space<hbm>> -> memref<1x1x64xi32, #tpu.memory_space<hbm>>
      %dma_start3A_63 = tpu.memref_squeeze %dma_start3A_62 : memref<1x1x64xi32, #tpu.memory_space<hbm>> -> memref<1x64xi32, #tpu.memory_space<hbm>>
      %dma_start3A_64 = arith.constant 0 : i32
      %dma_start3A_65 = arith.constant 0 : i32
      %dma_start3A_66 = tpu.memref_slice %arg5[%add3A, %dma_start3A_64, %dma_start3A_65] : memref<32x1x64xi32, #tpu.memory_space<hbm>> -> memref<1x1x64xi32, #tpu.memory_space<hbm>>
      %dma_start3A_67 = tpu.memref_squeeze %dma_start3A_66 : memref<1x1x64xi32, #tpu.memory_space<hbm>> -> memref<1x64xi32, #tpu.memory_space<hbm>>
      tpu.enqueue_dma source(%dma_start3A_67 : memref<1x64xi32, #tpu.memory_space<hbm>>) target(%arg21 : memref<1x64xi32, #tpu.memory_space<vmem>>) target_semaphore(%run_scoped3A : memref<!tpu.dma_semaphore, #tpu.memory_space<semaphore_mem>>)
      %dma_wait3A_68 = arith.constant 0 : i32
      %dma_wait3A_69 = arith.constant 0 : i32
      %dma_wait3A_70 = tpu.memref_slice %arg5[%add3A, %dma_wait3A_68, %dma_wait3A_69] : memref<32x1x64xi32, #tpu.memory_space<hbm>> -> memref<1x1x64xi32, #tpu.memory_space<hbm>>
      %dma_wait3A_71 = tpu.memref_squeeze %dma_wait3A_70 : memref<1x1x64xi32, #tpu.memory_space<hbm>> -> memref<1x64xi32, #tpu.memory_space<hbm>>
      %dma_wait3A_72 = arith.constant 0 : i32
      %dma_wait3A_73 = arith.constant 0 : i32
      %dma_wait3A_74 = tpu.memref_slice %arg5[%add3A, %dma_wait3A_72, %dma_wait3A_73] : memref<32x1x64xi32, #tpu.memory_space<hbm>> -> memref<1x1x64xi32, #tpu.memory_space<hbm>>
      %dma_wait3A_75 = tpu.memref_squeeze %dma_wait3A_74 : memref<1x1x64xi32, #tpu.memory_space<hbm>> -> memref<1x64xi32, #tpu.memory_space<hbm>>
      tpu.wait_dma2 semaphore(%run_scoped3A : memref<!tpu.dma_semaphore, #tpu.memory_space<semaphore_mem>>) src(%dma_wait3A_75 : memref<1x64xi32, #tpu.memory_space<hbm>>) dst(%arg21 : memref<1x64xi32, #tpu.memory_space<vmem>>)
      tpu.yield
    }) : () -> ()
    %dma_start3A = arith.constant 0 : i32
    %dma_start3A_1 = arith.constant 0 : i32
    %dma_start3A_2 = tpu.memref_slice %arg17[%dma_start3A, %dma_start3A_1] : memref<1x64xi32, #tpu.memory_space<vmem>> -> memref<1x64xi32, #tpu.memory_space<vmem>>
    %dma_start3A_3 = tpu.memref_squeeze %dma_start3A_2 : memref<1x64xi32, #tpu.memory_space<vmem>> -> memref<64xi32, #tpu.memory_space<vmem>>
    %dma_start3A_4 = arith.constant 0 : i32
    %dma_start3A_5 = arith.constant 0 : i32
    %dma_start3A_6 = tpu.memref_slice %arg7[%dma_start3A_4, %dma_start3A_5] : memref<100001x64xf32, #tpu.memory_space<hbm>> -> memref<100001x64xf32, #tpu.memory_space<hbm>>
    tpu.enqueue_indirect_dma source(%dma_start3A_6 : memref<100001x64xf32, #tpu.memory_space<hbm>>) target(%arg18 : memref<64x64xf32, #tpu.memory_space<vmem>>) offsets(%dma_start3A_3 : memref<64xi32, #tpu.memory_space<vmem>>) semaphore(%arg24 : memref<!tpu.dma_semaphore, #tpu.memory_space<semaphore_mem>>)
    %dma_start3A_7 = arith.constant 0 : i32
    %dma_start3A_8 = arith.constant 0 : i32
    %dma_start3A_9 = tpu.memref_slice %arg19[%dma_start3A_7, %dma_start3A_8] : memref<1x64xi32, #tpu.memory_space<vmem>> -> memref<1x64xi32, #tpu.memory_space<vmem>>
    %dma_start3A_10 = tpu.memref_squeeze %dma_start3A_9 : memref<1x64xi32, #tpu.memory_space<vmem>> -> memref<64xi32, #tpu.memory_space<vmem>>
    %dma_start3A_11 = arith.constant 0 : i32
    %dma_start3A_12 = arith.constant 0 : i32
    %dma_start3A_13 = tpu.memref_slice %arg8[%dma_start3A_11, %dma_start3A_12] : memref<25x16xf32, #tpu.memory_space<hbm>> -> memref<25x16xf32, #tpu.memory_space<hbm>>
    tpu.enqueue_indirect_dma source(%dma_start3A_13 : memref<25x16xf32, #tpu.memory_space<hbm>>) target(%arg20 : memref<64x16xf32, #tpu.memory_space<vmem>>) offsets(%dma_start3A_10 : memref<64xi32, #tpu.memory_space<vmem>>) semaphore(%arg24 : memref<!tpu.dma_semaphore, #tpu.memory_space<semaphore_mem>>)
    %dma_start3A_14 = arith.constant 0 : i32
    %dma_start3A_15 = arith.constant 0 : i32
    %dma_start3A_16 = tpu.memref_slice %arg21[%dma_start3A_14, %dma_start3A_15] : memref<1x64xi32, #tpu.memory_space<vmem>> -> memref<1x64xi32, #tpu.memory_space<vmem>>
    %dma_start3A_17 = tpu.memref_squeeze %dma_start3A_16 : memref<1x64xi32, #tpu.memory_space<vmem>> -> memref<64xi32, #tpu.memory_space<vmem>>
    %dma_start3A_18 = arith.constant 0 : i32
    %dma_start3A_19 = arith.constant 0 : i32
    %dma_start3A_20 = tpu.memref_slice %arg9[%dma_start3A_18, %dma_start3A_19] : memref<8x16xf32, #tpu.memory_space<hbm>> -> memref<8x16xf32, #tpu.memory_space<hbm>>
    tpu.enqueue_indirect_dma source(%dma_start3A_20 : memref<8x16xf32, #tpu.memory_space<hbm>>) target(%arg22 : memref<64x16xf32, #tpu.memory_space<vmem>>) offsets(%dma_start3A_17 : memref<64xi32, #tpu.memory_space<vmem>>) semaphore(%arg24 : memref<!tpu.dma_semaphore, #tpu.memory_space<semaphore_mem>>)
    %mul3A_21 = arith.constant 64 : i32
    %mul3A_22 = arith.muli %add3A, %mul3A_21 : i32
    "tpu.region"() ({
      %run_scoped3A = tpu.sem_alloc : memref<!tpu.dma_semaphore, #tpu.memory_space<semaphore_mem>>
      %dma_start3A_60 = arith.constant 0 : i32
      %dma_start3A_61 = tpu.memref_slice %arg2[%mul3A_22, %dma_start3A_60] : memref<2048x50xi32, #tpu.memory_space<hbm>> -> memref<64x50xi32, #tpu.memory_space<hbm>>
      %dma_start3A_62 = arith.constant 0 : i32
      %dma_start3A_63 = tpu.memref_slice %arg2[%mul3A_22, %dma_start3A_62] : memref<2048x50xi32, #tpu.memory_space<hbm>> -> memref<64x50xi32, #tpu.memory_space<hbm>>
      tpu.enqueue_dma source(%dma_start3A_63 : memref<64x50xi32, #tpu.memory_space<hbm>>) target(%arg14 : memref<64x50xi32, #tpu.memory_space<vmem>>) target_semaphore(%run_scoped3A : memref<!tpu.dma_semaphore, #tpu.memory_space<semaphore_mem>>)
      %dma_wait3A_64 = arith.constant 0 : i32
      %dma_wait3A_65 = tpu.memref_slice %arg2[%mul3A_22, %dma_wait3A_64] : memref<2048x50xi32, #tpu.memory_space<hbm>> -> memref<64x50xi32, #tpu.memory_space<hbm>>
      %dma_wait3A_66 = arith.constant 0 : i32
      %dma_wait3A_67 = tpu.memref_slice %arg2[%mul3A_22, %dma_wait3A_66] : memref<2048x50xi32, #tpu.memory_space<hbm>> -> memref<64x50xi32, #tpu.memory_space<hbm>>
      tpu.wait_dma2 semaphore(%run_scoped3A : memref<!tpu.dma_semaphore, #tpu.memory_space<semaphore_mem>>) src(%dma_wait3A_67 : memref<64x50xi32, #tpu.memory_space<hbm>>) dst(%arg14 : memref<64x50xi32, #tpu.memory_space<vmem>>)
      tpu.yield
    }) : () -> ()
    %mul3A_23 = arith.constant 64 : i32
    %mul3A_24 = arith.muli %add3A, %mul3A_23 : i32
    %scan3A = arith.constant 0 : i32
    %scan3A_25 = arith.constant 0 : i32
    %scan3A_26 = arith.constant 224 : i32
    %scan3A_27 = arith.addi %scan3A_25, %scan3A_26 : i32
    %scan3A_28 = arith.constant 1 : i32
    scf.for %scan3A_60 = %scan3A_25 to %scan3A_27 step %scan3A_28  : i32 {
      %mul3A_61 = arith.constant 16 : i32
      %mul3A_62 = arith.muli %scan3A_60, %mul3A_61 : i32
      %iota3A = tpu.iota {dimensions = array<i32: 0>} : vector<16xi32>
      %add3A_63 = vector.broadcast %mul3A_62 : i32 to vector<16xi32>
      %add3A_64 = arith.addi %add3A_63, %iota3A : vector<16xi32>
      %mul3A_65 = arith.constant 37450 : i32
      %mul3A_66 = vector.broadcast %mul3A_65 : i32 to vector<16xi32>
      %mul3A_67 = arith.muli %add3A_64, %mul3A_66 : vector<16xi32>
      %shift_right_logical3A = arith.constant 21 : i32
      %shift_right_logical3A_68 = vector.broadcast %shift_right_logical3A : i32 to vector<16xi32>
      %shift_right_logical3A_69 = arith.shrui %mul3A_67, %shift_right_logical3A_68 : vector<16xi32>
      %mul3A_70 = arith.constant 56 : i32
      %mul3A_71 = vector.broadcast %mul3A_70 : i32 to vector<16xi32>
      %mul3A_72 = arith.muli %shift_right_logical3A_69, %mul3A_71 : vector<16xi32>
      %sub3A = arith.subi %add3A_64, %mul3A_72 : vector<16xi32>
      %mul3A_73 = arith.constant 6 : i32
      %mul3A_74 = vector.broadcast %mul3A_73 : i32 to vector<16xi32>
      %mul3A_75 = arith.muli %mul3A_74, %shift_right_logical3A_69 : vector<16xi32>
      %sub3A_76 = arith.subi %add3A_64, %mul3A_75 : vector<16xi32>
      %mul3A_77 = arith.constant 41944 : i32
      %mul3A_78 = vector.broadcast %mul3A_77 : i32 to vector<16xi32>
      %mul3A_79 = arith.muli %sub3A_76, %mul3A_78 : vector<16xi32>
      %shift_right_logical3A_80 = arith.constant 21 : i32
      %shift_right_logical3A_81 = vector.broadcast %shift_right_logical3A_80 : i32 to vector<16xi32>
      %shift_right_logical3A_82 = arith.shrui %mul3A_79, %shift_right_logical3A_81 : vector<16xi32>
      %mul3A_83 = arith.constant 50 : i32
      %mul3A_84 = vector.broadcast %mul3A_83 : i32 to vector<16xi32>
      %mul3A_85 = arith.muli %shift_right_logical3A_82, %mul3A_84 : vector<16xi32>
      %sub3A_86 = arith.subi %sub3A_76, %mul3A_85 : vector<16xi32>
      %gather3A = tpu.vector_load_idx %arg14[%shift_right_logical3A_82, %sub3A_86] : memref<64x50xi32, #tpu.memory_space<vmem>>[vector<16xi32>, vector<16xi32>], vector<16xi32>,
      %add3A_87 = vector.broadcast %mul3A_24 : i32 to vector<16xi32>
      %add3A_88 = arith.addi %add3A_87, %shift_right_logical3A_69 : vector<16xi32>
      %mul3A_89 = arith.constant 24 : i32
      %mul3A_90 = vector.broadcast %mul3A_89 : i32 to vector<16xi32>
      %mul3A_91 = arith.muli %add3A_88, %mul3A_90 : vector<16xi32>
      %add3A_92 = arith.constant 1 : i32
      %add3A_93 = vector.broadcast %add3A_92 : i32 to vector<16xi32>
      %add3A_94 = arith.addi %mul3A_91, %add3A_93 : vector<16xi32>
      %ge3A = arith.constant 50 : i32
      %ge3A_95 = vector.broadcast %ge3A : i32 to vector<16xi32>
      %ge3A_96 = arith.cmpi sge, %sub3A, %ge3A_95 : vector<16xi32>
      %select_n3A = arith.select %ge3A_96, %add3A_94, %gather3A : vector<16xi1>, vector<16xi32>
      %mul3A_97 = arith.constant 16 : i32
      %mul3A_98 = arith.muli %scan3A_60, %mul3A_97 : i32
      %swap3A = arith.index_cast %mul3A_98 : i32 to index
      %swap3A_99 = tpu.vector_load %arg15[%swap3A] {strides = array<i32>} : memref<3584xi32, #tpu.memory_space<vmem>>, vector<16xi32>,
      tpu.vector_store %arg15[%swap3A], %select_n3A {strides = array<i32>} : memref<3584xi32, #tpu.memory_space<vmem>>, vector<16xi32>,
    }
    %scan3A_29 = arith.constant 224 : i32
    %mul3A_30 = arith.constant 3584 : i32
    %mul3A_31 = arith.muli %add3A, %mul3A_30 : i32
    %scan3A_32 = arith.constant 0 : i32
    %scan3A_33 = arith.constant 0 : i32
    %scan3A_34 = arith.constant 4 : i32
    %scan3A_35 = arith.addi %scan3A_33, %scan3A_34 : i32
    %scan3A_36 = arith.constant 1 : i32
    scf.for %scan3A_60 = %scan3A_33 to %scan3A_35 step %scan3A_36  : i32 {
      %mul3A_61 = arith.constant 7 : i32
      %mul3A_62 = arith.muli %scan3A_60, %mul3A_61 : i32
      %add3A_63 = arith.constant 0 : i32
      %add3A_64 = arith.addi %mul3A_62, %add3A_63 : i32
      %mul3A_65 = arith.constant 128 : i32
      %mul3A_66 = arith.muli %add3A_64, %mul3A_65 : i32
      %mul3A_67 = arith.constant 7 : i32
      %mul3A_68 = arith.muli %scan3A_60, %mul3A_67 : i32
      %add3A_69 = arith.constant 1 : i32
      %add3A_70 = arith.addi %mul3A_68, %add3A_69 : i32
      %mul3A_71 = arith.constant 128 : i32
      %mul3A_72 = arith.muli %add3A_70, %mul3A_71 : i32
      %mul3A_73 = arith.constant 7 : i32
      %mul3A_74 = arith.muli %scan3A_60, %mul3A_73 : i32
      %add3A_75 = arith.constant 2 : i32
      %add3A_76 = arith.addi %mul3A_74, %add3A_75 : i32
      %mul3A_77 = arith.constant 128 : i32
      %mul3A_78 = arith.muli %add3A_76, %mul3A_77 : i32
      %mul3A_79 = arith.constant 7 : i32
      %mul3A_80 = arith.muli %scan3A_60, %mul3A_79 : i32
      %add3A_81 = arith.constant 3 : i32
      %add3A_82 = arith.addi %mul3A_80, %add3A_81 : i32
      %mul3A_83 = arith.constant 128 : i32
      %mul3A_84 = arith.muli %add3A_82, %mul3A_83 : i32
      %mul3A_85 = arith.constant 7 : i32
      %mul3A_86 = arith.muli %scan3A_60, %mul3A_85 : i32
      %add3A_87 = arith.constant 4 : i32
      %add3A_88 = arith.addi %mul3A_86, %add3A_87 : i32
      %mul3A_89 = arith.constant 128 : i32
      %mul3A_90 = arith.muli %add3A_88, %mul3A_89 : i32
      %mul3A_91 = arith.constant 7 : i32
      %mul3A_92 = arith.muli %scan3A_60, %mul3A_91 : i32
      %add3A_93 = arith.constant 5 : i32
      %add3A_94 = arith.addi %mul3A_92, %add3A_93 : i32
      %mul3A_95 = arith.constant 128 : i32
      %mul3A_96 = arith.muli %add3A_94, %mul3A_95 : i32
      %mul3A_97 = arith.constant 7 : i32
      %mul3A_98 = arith.muli %scan3A_60, %mul3A_97 : i32
      %add3A_99 = arith.constant 6 : i32
      %add3A_100 = arith.addi %mul3A_98, %add3A_99 : i32
      %mul3A_101 = arith.constant 128 : i32
      %mul3A_102 = arith.muli %add3A_100, %mul3A_101 : i32
      %dma_start3A_103 = arith.constant 0 : i32
      %dma_start3A_104 = arith.constant 0 : i32
      %dma_start3A_105 = tpu.memref_slice %arg16[%dma_start3A_103, %dma_start3A_104] : memref<896x64xf32, #tpu.memory_space<vmem>> -> memref<128x64xf32, #tpu.memory_space<vmem>>
      %dma_start3A_106 = tpu.memref_slice %arg15[%mul3A_66] : memref<3584xi32, #tpu.memory_space<vmem>> -> memref<128xi32, #tpu.memory_space<vmem>>
      %dma_start3A_107 = arith.constant 0 : i32
      %dma_start3A_108 = arith.constant 0 : i32
      %dma_start3A_109 = tpu.memref_slice %arg6[%dma_start3A_107, %dma_start3A_108] : memref<100002x64xf32, #tpu.memory_space<hbm>> -> memref<100002x64xf32, #tpu.memory_space<hbm>>
      tpu.enqueue_indirect_dma source(%dma_start3A_109 : memref<100002x64xf32, #tpu.memory_space<hbm>>) target(%dma_start3A_105 : memref<128x64xf32, #tpu.memory_space<vmem>>) offsets(%dma_start3A_106 : memref<128xi32, #tpu.memory_space<vmem>>) semaphore(%arg23 : memref<!tpu.dma_semaphore, #tpu.memory_space<semaphore_mem>>)
      %dma_start3A_110 = arith.constant 128 : i32
      %dma_start3A_111 = arith.constant 0 : i32
      %dma_start3A_112 = tpu.memref_slice %arg16[%dma_start3A_110, %dma_start3A_111] : memref<896x64xf32, #tpu.memory_space<vmem>> -> memref<128x64xf32, #tpu.memory_space<vmem>>
      %dma_start3A_113 = tpu.memref_slice %arg15[%mul3A_72] : memref<3584xi32, #tpu.memory_space<vmem>> -> memref<128xi32, #tpu.memory_space<vmem>>
      %dma_start3A_114 = arith.constant 0 : i32
      %dma_start3A_115 = arith.constant 0 : i32
      %dma_start3A_116 = tpu.memref_slice %arg6[%dma_start3A_114, %dma_start3A_115] : memref<100002x64xf32, #tpu.memory_space<hbm>> -> memref<100002x64xf32, #tpu.memory_space<hbm>>
      tpu.enqueue_indirect_dma source(%dma_start3A_116 : memref<100002x64xf32, #tpu.memory_space<hbm>>) target(%dma_start3A_112 : memref<128x64xf32, #tpu.memory_space<vmem>>) offsets(%dma_start3A_113 : memref<128xi32, #tpu.memory_space<vmem>>) semaphore(%arg23 : memref<!tpu.dma_semaphore, #tpu.memory_space<semaphore_mem>>)
      %dma_start3A_117 = arith.constant 256 : i32
      %dma_start3A_118 = arith.constant 0 : i32
      %dma_start3A_119 = tpu.memref_slice %arg16[%dma_start3A_117, %dma_start3A_118] : memref<896x64xf32, #tpu.memory_space<vmem>> -> memref<128x64xf32, #tpu.memory_space<vmem>>
      %dma_start3A_120 = tpu.memref_slice %arg15[%mul3A_78] : memref<3584xi32, #tpu.memory_space<vmem>> -> memref<128xi32, #tpu.memory_space<vmem>>
      %dma_start3A_121 = arith.constant 0 : i32
      %dma_start3A_122 = arith.constant 0 : i32
      %dma_start3A_123 = tpu.memref_slice %arg6[%dma_start3A_121, %dma_start3A_122] : memref<100002x64xf32, #tpu.memory_space<hbm>> -> memref<100002x64xf32, #tpu.memory_space<hbm>>
      tpu.enqueue_indirect_dma source(%dma_start3A_123 : memref<100002x64xf32, #tpu.memory_space<hbm>>) target(%dma_start3A_119 : memref<128x64xf32, #tpu.memory_space<vmem>>) offsets(%dma_start3A_120 : memref<128xi32, #tpu.memory_space<vmem>>) semaphore(%arg23 : memref<!tpu.dma_semaphore, #tpu.memory_space<semaphore_mem>>)
      %dma_start3A_124 = arith.constant 384 : i32
      %dma_start3A_125 = arith.constant 0 : i32
      %dma_start3A_126 = tpu.memref_slice %arg16[%dma_start3A_124, %dma_start3A_125] : memref<896x64xf32, #tpu.memory_space<vmem>> -> memref<128x64xf32, #tpu.memory_space<vmem>>
      %dma_start3A_127 = tpu.memref_slice %arg15[%mul3A_84] : memref<3584xi32, #tpu.memory_space<vmem>> -> memref<128xi32, #tpu.memory_space<vmem>>
      %dma_start3A_128 = arith.constant 0 : i32
      %dma_start3A_129 = arith.constant 0 : i32
      %dma_start3A_130 = tpu.memref_slice %arg6[%dma_start3A_128, %dma_start3A_129] : memref<100002x64xf32, #tpu.memory_space<hbm>> -> memref<100002x64xf32, #tpu.memory_space<hbm>>
      tpu.enqueue_indirect_dma source(%dma_start3A_130 : memref<100002x64xf32, #tpu.memory_space<hbm>>) target(%dma_start3A_126 : memref<128x64xf32, #tpu.memory_space<vmem>>) offsets(%dma_start3A_127 : memref<128xi32, #tpu.memory_space<vmem>>) semaphore(%arg23 : memref<!tpu.dma_semaphore, #tpu.memory_space<semaphore_mem>>)
      %dma_start3A_131 = arith.constant 512 : i32
      %dma_start3A_132 = arith.constant 0 : i32
      %dma_start3A_133 = tpu.memref_slice %arg16[%dma_start3A_131, %dma_start3A_132] : memref<896x64xf32, #tpu.memory_space<vmem>> -> memref<128x64xf32, #tpu.memory_space<vmem>>
      %dma_start3A_134 = tpu.memref_slice %arg15[%mul3A_90] : memref<3584xi32, #tpu.memory_space<vmem>> -> memref<128xi32, #tpu.memory_space<vmem>>
      %dma_start3A_135 = arith.constant 0 : i32
      %dma_start3A_136 = arith.constant 0 : i32
      %dma_start3A_137 = tpu.memref_slice %arg6[%dma_start3A_135, %dma_start3A_136] : memref<100002x64xf32, #tpu.memory_space<hbm>> -> memref<100002x64xf32, #tpu.memory_space<hbm>>
      tpu.enqueue_indirect_dma source(%dma_start3A_137 : memref<100002x64xf32, #tpu.memory_space<hbm>>) target(%dma_start3A_133 : memref<128x64xf32, #tpu.memory_space<vmem>>) offsets(%dma_start3A_134 : memref<128xi32, #tpu.memory_space<vmem>>) semaphore(%arg23 : memref<!tpu.dma_semaphore, #tpu.memory_space<semaphore_mem>>)
      %dma_start3A_138 = arith.constant 640 : i32
      %dma_start3A_139 = arith.constant 0 : i32
      %dma_start3A_140 = tpu.memref_slice %arg16[%dma_start3A_138, %dma_start3A_139] : memref<896x64xf32, #tpu.memory_space<vmem>> -> memref<128x64xf32, #tpu.memory_space<vmem>>
      %dma_start3A_141 = tpu.memref_slice %arg15[%mul3A_96] : memref<3584xi32, #tpu.memory_space<vmem>> -> memref<128xi32, #tpu.memory_space<vmem>>
      %dma_start3A_142 = arith.constant 0 : i32
      %dma_start3A_143 = arith.constant 0 : i32
      %dma_start3A_144 = tpu.memref_slice %arg6[%dma_start3A_142, %dma_start3A_143] : memref<100002x64xf32, #tpu.memory_space<hbm>> -> memref<100002x64xf32, #tpu.memory_space<hbm>>
      tpu.enqueue_indirect_dma source(%dma_start3A_144 : memref<100002x64xf32, #tpu.memory_space<hbm>>) target(%dma_start3A_140 : memref<128x64xf32, #tpu.memory_space<vmem>>) offsets(%dma_start3A_141 : memref<128xi32, #tpu.memory_space<vmem>>) semaphore(%arg23 : memref<!tpu.dma_semaphore, #tpu.memory_space<semaphore_mem>>)
      %dma_start3A_145 = arith.constant 768 : i32
      %dma_start3A_146 = arith.constant 0 : i32
      %dma_start3A_147 = tpu.memref_slice %arg16[%dma_start3A_145, %dma_start3A_146] : memref<896x64xf32, #tpu.memory_space<vmem>> -> memref<128x64xf32, #tpu.memory_space<vmem>>
      %dma_start3A_148 = tpu.memref_slice %arg15[%mul3A_102] : memref<3584xi32, #tpu.memory_space<vmem>> -> memref<128xi32, #tpu.memory_space<vmem>>
      %dma_start3A_149 = arith.constant 0 : i32
      %dma_start3A_150 = arith.constant 0 : i32
      %dma_start3A_151 = tpu.memref_slice %arg6[%dma_start3A_149, %dma_start3A_150] : memref<100002x64xf32, #tpu.memory_space<hbm>> -> memref<100002x64xf32, #tpu.memory_space<hbm>>
      tpu.enqueue_indirect_dma source(%dma_start3A_151 : memref<100002x64xf32, #tpu.memory_space<hbm>>) target(%dma_start3A_147 : memref<128x64xf32, #tpu.memory_space<vmem>>) offsets(%dma_start3A_148 : memref<128xi32, #tpu.memory_space<vmem>>) semaphore(%arg23 : memref<!tpu.dma_semaphore, #tpu.memory_space<semaphore_mem>>)
      %dma_wait3A_152 = arith.constant 0 : i32
      %dma_wait3A_153 = arith.constant 0 : i32
      %dma_wait3A_154 = tpu.memref_slice %arg16[%dma_wait3A_152, %dma_wait3A_153] : memref<896x64xf32, #tpu.memory_space<vmem>> -> memref<128x64xf32, #tpu.memory_space<vmem>>
      %dma_wait3A_155 = tpu.memref_slice %arg15[%mul3A_66] : memref<3584xi32, #tpu.memory_space<vmem>> -> memref<128xi32, #tpu.memory_space<vmem>>
      %dma_wait3A_156 = arith.constant 0 : i32
      %dma_wait3A_157 = arith.constant 0 : i32
      %dma_wait3A_158 = tpu.memref_slice %arg6[%dma_wait3A_156, %dma_wait3A_157] : memref<100002x64xf32, #tpu.memory_space<hbm>> -> memref<100002x64xf32, #tpu.memory_space<hbm>>
      tpu.wait_indirect_dma semaphore(%arg23 : memref<!tpu.dma_semaphore, #tpu.memory_space<semaphore_mem>>) src(%dma_wait3A_158 : memref<100002x64xf32, #tpu.memory_space<hbm>>) dst(%dma_wait3A_154 : memref<128x64xf32, #tpu.memory_space<vmem>>)
      %dma_wait3A_159 = arith.constant 128 : i32
      %dma_wait3A_160 = arith.constant 0 : i32
      %dma_wait3A_161 = tpu.memref_slice %arg16[%dma_wait3A_159, %dma_wait3A_160] : memref<896x64xf32, #tpu.memory_space<vmem>> -> memref<128x64xf32, #tpu.memory_space<vmem>>
      %dma_wait3A_162 = tpu.memref_slice %arg15[%mul3A_72] : memref<3584xi32, #tpu.memory_space<vmem>> -> memref<128xi32, #tpu.memory_space<vmem>>
      %dma_wait3A_163 = arith.constant 0 : i32
      %dma_wait3A_164 = arith.constant 0 : i32
      %dma_wait3A_165 = tpu.memref_slice %arg6[%dma_wait3A_163, %dma_wait3A_164] : memref<100002x64xf32, #tpu.memory_space<hbm>> -> memref<100002x64xf32, #tpu.memory_space<hbm>>
      tpu.wait_indirect_dma semaphore(%arg23 : memref<!tpu.dma_semaphore, #tpu.memory_space<semaphore_mem>>) src(%dma_wait3A_165 : memref<100002x64xf32, #tpu.memory_space<hbm>>) dst(%dma_wait3A_161 : memref<128x64xf32, #tpu.memory_space<vmem>>)
      %dma_wait3A_166 = arith.constant 256 : i32
      %dma_wait3A_167 = arith.constant 0 : i32
      %dma_wait3A_168 = tpu.memref_slice %arg16[%dma_wait3A_166, %dma_wait3A_167] : memref<896x64xf32, #tpu.memory_space<vmem>> -> memref<128x64xf32, #tpu.memory_space<vmem>>
      %dma_wait3A_169 = tpu.memref_slice %arg15[%mul3A_78] : memref<3584xi32, #tpu.memory_space<vmem>> -> memref<128xi32, #tpu.memory_space<vmem>>
      %dma_wait3A_170 = arith.constant 0 : i32
      %dma_wait3A_171 = arith.constant 0 : i32
      %dma_wait3A_172 = tpu.memref_slice %arg6[%dma_wait3A_170, %dma_wait3A_171] : memref<100002x64xf32, #tpu.memory_space<hbm>> -> memref<100002x64xf32, #tpu.memory_space<hbm>>
      tpu.wait_indirect_dma semaphore(%arg23 : memref<!tpu.dma_semaphore, #tpu.memory_space<semaphore_mem>>) src(%dma_wait3A_172 : memref<100002x64xf32, #tpu.memory_space<hbm>>) dst(%dma_wait3A_168 : memref<128x64xf32, #tpu.memory_space<vmem>>)
      %dma_wait3A_173 = arith.constant 384 : i32
      %dma_wait3A_174 = arith.constant 0 : i32
      %dma_wait3A_175 = tpu.memref_slice %arg16[%dma_wait3A_173, %dma_wait3A_174] : memref<896x64xf32, #tpu.memory_space<vmem>> -> memref<128x64xf32, #tpu.memory_space<vmem>>
      %dma_wait3A_176 = tpu.memref_slice %arg15[%mul3A_84] : memref<3584xi32, #tpu.memory_space<vmem>> -> memref<128xi32, #tpu.memory_space<vmem>>
      %dma_wait3A_177 = arith.constant 0 : i32
      %dma_wait3A_178 = arith.constant 0 : i32
      %dma_wait3A_179 = tpu.memref_slice %arg6[%dma_wait3A_177, %dma_wait3A_178] : memref<100002x64xf32, #tpu.memory_space<hbm>> -> memref<100002x64xf32, #tpu.memory_space<hbm>>
      tpu.wait_indirect_dma semaphore(%arg23 : memref<!tpu.dma_semaphore, #tpu.memory_space<semaphore_mem>>) src(%dma_wait3A_179 : memref<100002x64xf32, #tpu.memory_space<hbm>>) dst(%dma_wait3A_175 : memref<128x64xf32, #tpu.memory_space<vmem>>)
      %dma_wait3A_180 = arith.constant 512 : i32
      %dma_wait3A_181 = arith.constant 0 : i32
      %dma_wait3A_182 = tpu.memref_slice %arg16[%dma_wait3A_180, %dma_wait3A_181] : memref<896x64xf32, #tpu.memory_space<vmem>> -> memref<128x64xf32, #tpu.memory_space<vmem>>
      %dma_wait3A_183 = tpu.memref_slice %arg15[%mul3A_90] : memref<3584xi32, #tpu.memory_space<vmem>> -> memref<128xi32, #tpu.memory_space<vmem>>
      %dma_wait3A_184 = arith.constant 0 : i32
      %dma_wait3A_185 = arith.constant 0 : i32
      %dma_wait3A_186 = tpu.memref_slice %arg6[%dma_wait3A_184, %dma_wait3A_185] : memref<100002x64xf32, #tpu.memory_space<hbm>> -> memref<100002x64xf32, #tpu.memory_space<hbm>>
      tpu.wait_indirect_dma semaphore(%arg23 : memref<!tpu.dma_semaphore, #tpu.memory_space<semaphore_mem>>) src(%dma_wait3A_186 : memref<100002x64xf32, #tpu.memory_space<hbm>>) dst(%dma_wait3A_182 : memref<128x64xf32, #tpu.memory_space<vmem>>)
      %dma_wait3A_187 = arith.constant 640 : i32
      %dma_wait3A_188 = arith.constant 0 : i32
      %dma_wait3A_189 = tpu.memref_slice %arg16[%dma_wait3A_187, %dma_wait3A_188] : memref<896x64xf32, #tpu.memory_space<vmem>> -> memref<128x64xf32, #tpu.memory_space<vmem>>
      %dma_wait3A_190 = tpu.memref_slice %arg15[%mul3A_96] : memref<3584xi32, #tpu.memory_space<vmem>> -> memref<128xi32, #tpu.memory_space<vmem>>
      %dma_wait3A_191 = arith.constant 0 : i32
      %dma_wait3A_192 = arith.constant 0 : i32
      %dma_wait3A_193 = tpu.memref_slice %arg6[%dma_wait3A_191, %dma_wait3A_192] : memref<100002x64xf32, #tpu.memory_space<hbm>> -> memref<100002x64xf32, #tpu.memory_space<hbm>>
      tpu.wait_indirect_dma semaphore(%arg23 : memref<!tpu.dma_semaphore, #tpu.memory_space<semaphore_mem>>) src(%dma_wait3A_193 : memref<100002x64xf32, #tpu.memory_space<hbm>>) dst(%dma_wait3A_189 : memref<128x64xf32, #tpu.memory_space<vmem>>)
      %dma_wait3A_194 = arith.constant 768 : i32
      %dma_wait3A_195 = arith.constant 0 : i32
      %dma_wait3A_196 = tpu.memref_slice %arg16[%dma_wait3A_194, %dma_wait3A_195] : memref<896x64xf32, #tpu.memory_space<vmem>> -> memref<128x64xf32, #tpu.memory_space<vmem>>
      %dma_wait3A_197 = tpu.memref_slice %arg15[%mul3A_102] : memref<3584xi32, #tpu.memory_space<vmem>> -> memref<128xi32, #tpu.memory_space<vmem>>
      %dma_wait3A_198 = arith.constant 0 : i32
      %dma_wait3A_199 = arith.constant 0 : i32
      %dma_wait3A_200 = tpu.memref_slice %arg6[%dma_wait3A_198, %dma_wait3A_199] : memref<100002x64xf32, #tpu.memory_space<hbm>> -> memref<100002x64xf32, #tpu.memory_space<hbm>>
      tpu.wait_indirect_dma semaphore(%arg23 : memref<!tpu.dma_semaphore, #tpu.memory_space<semaphore_mem>>) src(%dma_wait3A_200 : memref<100002x64xf32, #tpu.memory_space<hbm>>) dst(%dma_wait3A_196 : memref<128x64xf32, #tpu.memory_space<vmem>>)
      %mul3A_201 = arith.constant 896 : i32
      %mul3A_202 = arith.muli %scan3A_60, %mul3A_201 : i32
      %add3A_203 = arith.addi %mul3A_31, %mul3A_202 : i32
      "tpu.region"() ({
        %run_scoped3A = tpu.sem_alloc : memref<!tpu.dma_semaphore, #tpu.memory_space<semaphore_mem>>
        %dma_start3A_204 = arith.constant 0 : i32
        %dma_start3A_205 = tpu.memref_slice %arg10[%add3A_203, %dma_start3A_204] : memref<114688x64xf32, #tpu.memory_space<hbm>> -> memref<896x64xf32, #tpu.memory_space<hbm>>
        %dma_start3A_206 = arith.constant 0 : i32
        %dma_start3A_207 = tpu.memref_slice %arg10[%add3A_203, %dma_start3A_206] : memref<114688x64xf32, #tpu.memory_space<hbm>> -> memref<896x64xf32, #tpu.memory_space<hbm>>
        tpu.enqueue_dma source(%arg16 : memref<896x64xf32, #tpu.memory_space<vmem>>) target(%dma_start3A_207 : memref<896x64xf32, #tpu.memory_space<hbm>>) target_semaphore(%run_scoped3A : memref<!tpu.dma_semaphore, #tpu.memory_space<semaphore_mem>>)
        %dma_wait3A_208 = arith.constant 0 : i32
        %dma_wait3A_209 = tpu.memref_slice %arg10[%add3A_203, %dma_wait3A_208] : memref<114688x64xf32, #tpu.memory_space<hbm>> -> memref<896x64xf32, #tpu.memory_space<hbm>>
        %dma_wait3A_210 = arith.constant 0 : i32
        %dma_wait3A_211 = tpu.memref_slice %arg10[%add3A_203, %dma_wait3A_210] : memref<114688x64xf32, #tpu.memory_space<hbm>> -> memref<896x64xf32, #tpu.memory_space<hbm>>
        tpu.wait_dma2 semaphore(%run_scoped3A : memref<!tpu.dma_semaphore, #tpu.memory_space<semaphore_mem>>) src(%arg16 : memref<896x64xf32, #tpu.memory_space<vmem>>) dst(%dma_wait3A_211 : memref<896x64xf32, #tpu.memory_space<hbm>>)
        tpu.yield
      }) : () -> ()
    }
    %scan3A_37 = arith.constant 4 : i32
    %dma_wait3A = arith.constant 0 : i32
    %dma_wait3A_38 = arith.constant 0 : i32
    %dma_wait3A_39 = tpu.memref_slice %arg17[%dma_wait3A, %dma_wait3A_38] : memref<1x64xi32, #tpu.memory_space<vmem>> -> memref<1x64xi32, #tpu.memory_space<vmem>>
    %dma_wait3A_40 = tpu.memref_squeeze %dma_wait3A_39 : memref<1x64xi32, #tpu.memory_space<vmem>> -> memref<64xi32, #tpu.memory_space<vmem>>
    %dma_wait3A_41 = arith.constant 0 : i32
    %dma_wait3A_42 = arith.constant 0 : i32
    %dma_wait3A_43 = tpu.memref_slice %arg7[%dma_wait3A_41, %dma_wait3A_42] : memref<100001x64xf32, #tpu.memory_space<hbm>> -> memref<100001x64xf32, #tpu.memory_space<hbm>>
    tpu.wait_indirect_dma semaphore(%arg24 : memref<!tpu.dma_semaphore, #tpu.memory_space<semaphore_mem>>) src(%dma_wait3A_43 : memref<100001x64xf32, #tpu.memory_space<hbm>>) dst(%arg18 : memref<64x64xf32, #tpu.memory_space<vmem>>)
    %dma_wait3A_44 = arith.constant 0 : i32
    %dma_wait3A_45 = arith.constant 0 : i32
    %dma_wait3A_46 = tpu.memref_slice %arg19[%dma_wait3A_44, %dma_wait3A_45] : memref<1x64xi32, #tpu.memory_space<vmem>> -> memref<1x64xi32, #tpu.memory_space<vmem>>
    %dma_wait3A_47 = tpu.memref_squeeze %dma_wait3A_46 : memref<1x64xi32, #tpu.memory_space<vmem>> -> memref<64xi32, #tpu.memory_space<vmem>>
    %dma_wait3A_48 = arith.constant 0 : i32
    %dma_wait3A_49 = arith.constant 0 : i32
    %dma_wait3A_50 = tpu.memref_slice %arg8[%dma_wait3A_48, %dma_wait3A_49] : memref<25x16xf32, #tpu.memory_space<hbm>> -> memref<25x16xf32, #tpu.memory_space<hbm>>
    tpu.wait_indirect_dma semaphore(%arg24 : memref<!tpu.dma_semaphore, #tpu.memory_space<semaphore_mem>>) src(%dma_wait3A_50 : memref<25x16xf32, #tpu.memory_space<hbm>>) dst(%arg20 : memref<64x16xf32, #tpu.memory_space<vmem>>)
    %dma_wait3A_51 = arith.constant 0 : i32
    %dma_wait3A_52 = arith.constant 0 : i32
    %dma_wait3A_53 = tpu.memref_slice %arg21[%dma_wait3A_51, %dma_wait3A_52] : memref<1x64xi32, #tpu.memory_space<vmem>> -> memref<1x64xi32, #tpu.memory_space<vmem>>
    %dma_wait3A_54 = tpu.memref_squeeze %dma_wait3A_53 : memref<1x64xi32, #tpu.memory_space<vmem>> -> memref<64xi32, #tpu.memory_space<vmem>>
    %dma_wait3A_55 = arith.constant 0 : i32
    %dma_wait3A_56 = arith.constant 0 : i32
    %dma_wait3A_57 = tpu.memref_slice %arg9[%dma_wait3A_55, %dma_wait3A_56] : memref<8x16xf32, #tpu.memory_space<hbm>> -> memref<8x16xf32, #tpu.memory_space<hbm>>
    tpu.wait_indirect_dma semaphore(%arg24 : memref<!tpu.dma_semaphore, #tpu.memory_space<semaphore_mem>>) src(%dma_wait3A_57 : memref<8x16xf32, #tpu.memory_space<hbm>>) dst(%arg22 : memref<64x16xf32, #tpu.memory_space<vmem>>)
    %mul3A_58 = arith.constant 64 : i32
    %mul3A_59 = arith.muli %add3A, %mul3A_58 : i32
    "tpu.region"() ({
      %run_scoped3A = tpu.sem_alloc : memref<!tpu.dma_semaphore, #tpu.memory_space<semaphore_mem>>
      %dma_start3A_60 = arith.constant 0 : i32
      %dma_start3A_61 = tpu.memref_slice %arg11[%mul3A_59, %dma_start3A_60] : memref<2048x64xf32, #tpu.memory_space<hbm>> -> memref<64x64xf32, #tpu.memory_space<hbm>>
      %dma_start3A_62 = arith.constant 0 : i32
      %dma_start3A_63 = tpu.memref_slice %arg11[%mul3A_59, %dma_start3A_62] : memref<2048x64xf32, #tpu.memory_space<hbm>> -> memref<64x64xf32, #tpu.memory_space<hbm>>
      tpu.enqueue_dma source(%arg18 : memref<64x64xf32, #tpu.memory_space<vmem>>) target(%dma_start3A_63 : memref<64x64xf32, #tpu.memory_space<hbm>>) target_semaphore(%run_scoped3A : memref<!tpu.dma_semaphore, #tpu.memory_space<semaphore_mem>>)
      %dma_wait3A_64 = arith.constant 0 : i32
      %dma_wait3A_65 = tpu.memref_slice %arg11[%mul3A_59, %dma_wait3A_64] : memref<2048x64xf32, #tpu.memory_space<hbm>> -> memref<64x64xf32, #tpu.memory_space<hbm>>
      %dma_wait3A_66 = arith.constant 0 : i32
      %dma_wait3A_67 = tpu.memref_slice %arg11[%mul3A_59, %dma_wait3A_66] : memref<2048x64xf32, #tpu.memory_space<hbm>> -> memref<64x64xf32, #tpu.memory_space<hbm>>
      tpu.wait_dma2 semaphore(%run_scoped3A : memref<!tpu.dma_semaphore, #tpu.memory_space<semaphore_mem>>) src(%arg18 : memref<64x64xf32, #tpu.memory_space<vmem>>) dst(%dma_wait3A_67 : memref<64x64xf32, #tpu.memory_space<hbm>>)
      tpu.yield
    }) : () -> ()
    "tpu.region"() ({
      %run_scoped3A = tpu.sem_alloc : memref<!tpu.dma_semaphore, #tpu.memory_space<semaphore_mem>>
      %dma_start3A_60 = arith.constant 0 : i32
      %dma_start3A_61 = tpu.memref_slice %arg12[%mul3A_59, %dma_start3A_60] : memref<2048x16xf32, #tpu.memory_space<hbm>> -> memref<64x16xf32, #tpu.memory_space<hbm>>
      %dma_start3A_62 = arith.constant 0 : i32
      %dma_start3A_63 = tpu.memref_slice %arg12[%mul3A_59, %dma_start3A_62] : memref<2048x16xf32, #tpu.memory_space<hbm>> -> memref<64x16xf32, #tpu.memory_space<hbm>>
      tpu.enqueue_dma source(%arg20 : memref<64x16xf32, #tpu.memory_space<vmem>>) target(%dma_start3A_63 : memref<64x16xf32, #tpu.memory_space<hbm>>) target_semaphore(%run_scoped3A : memref<!tpu.dma_semaphore, #tpu.memory_space<semaphore_mem>>)
      %dma_wait3A_64 = arith.constant 0 : i32
      %dma_wait3A_65 = tpu.memref_slice %arg12[%mul3A_59, %dma_wait3A_64] : memref<2048x16xf32, #tpu.memory_space<hbm>> -> memref<64x16xf32, #tpu.memory_space<hbm>>
      %dma_wait3A_66 = arith.constant 0 : i32
      %dma_wait3A_67 = tpu.memref_slice %arg12[%mul3A_59, %dma_wait3A_66] : memref<2048x16xf32, #tpu.memory_space<hbm>> -> memref<64x16xf32, #tpu.memory_space<hbm>>
      tpu.wait_dma2 semaphore(%run_scoped3A : memref<!tpu.dma_semaphore, #tpu.memory_space<semaphore_mem>>) src(%arg20 : memref<64x16xf32, #tpu.memory_space<vmem>>) dst(%dma_wait3A_67 : memref<64x16xf32, #tpu.memory_space<hbm>>)
      tpu.yield
    }) : () -> ()
    "tpu.region"() ({
      %run_scoped3A = tpu.sem_alloc : memref<!tpu.dma_semaphore, #tpu.memory_space<semaphore_mem>>
      %dma_start3A_60 = arith.constant 0 : i32
      %dma_start3A_61 = tpu.memref_slice %arg13[%mul3A_59, %dma_start3A_60] : memref<2048x16xf32, #tpu.memory_space<hbm>> -> memref<64x16xf32, #tpu.memory_space<hbm>>
      %dma_start3A_62 = arith.constant 0 : i32
      %dma_start3A_63 = tpu.memref_slice %arg13[%mul3A_59, %dma_start3A_62] : memref<2048x16xf32, #tpu.memory_space<hbm>> -> memref<64x16xf32, #tpu.memory_space<hbm>>
      tpu.enqueue_dma source(%arg22 : memref<64x16xf32, #tpu.memory_space<vmem>>) target(%dma_start3A_63 : memref<64x16xf32, #tpu.memory_space<hbm>>) target_semaphore(%run_scoped3A : memref<!tpu.dma_semaphore, #tpu.memory_space<semaphore_mem>>)
      %dma_wait3A_64 = arith.constant 0 : i32
      %dma_wait3A_65 = tpu.memref_slice %arg13[%mul3A_59, %dma_wait3A_64] : memref<2048x16xf32, #tpu.memory_space<hbm>> -> memref<64x16xf32, #tpu.memory_space<hbm>>
      %dma_wait3A_66 = arith.constant 0 : i32
      %dma_wait3A_67 = tpu.memref_slice %arg13[%mul3A_59, %dma_wait3A_66] : memref<2048x16xf32, #tpu.memory_space<hbm>> -> memref<64x16xf32, #tpu.memory_space<hbm>>
      tpu.wait_dma2 semaphore(%run_scoped3A : memref<!tpu.dma_semaphore, #tpu.memory_space<semaphore_mem>>) src(%arg22 : memref<64x16xf32, #tpu.memory_space<vmem>>) dst(%dma_wait3A_67 : memref<64x16xf32, #tpu.memory_space<hbm>>)
      tpu.yield
    }) : () -> ()
    return
  }
}

module attributes {stable_mosaic.version = 14 : i64} {
  func.func @_attn_body(%arg0: i32, %arg1: memref<128x50xi32, #tpu.memory_space<vmem>>, %arg2: memref<7168x64xf32, #tpu.memory_space<vmem>>, %arg3: memref<128x64xf32, #tpu.memory_space<vmem>>, %arg4: memref<128x16xf32, #tpu.memory_space<vmem>>, %arg5: memref<128x16xf32, #tpu.memory_space<vmem>>, %arg6: memref<64x64xf32, #tpu.memory_space<vmem>>, %arg7: memref<1x64xf32, #tpu.memory_space<vmem>>, %arg8: memref<64x64xf32, #tpu.memory_space<vmem>>, %arg9: memref<1x64xf32, #tpu.memory_space<vmem>>, %arg10: memref<64x64xf32, #tpu.memory_space<vmem>>, %arg11: memref<1x64xf32, #tpu.memory_space<vmem>>, %arg12: memref<64x64xf32, #tpu.memory_space<vmem>>, %arg13: memref<1x64xf32, #tpu.memory_space<vmem>>, %arg14: memref<1x64xf32, #tpu.memory_space<vmem>>, %arg15: memref<1x64xf32, #tpu.memory_space<vmem>>, %arg16: memref<128x160xf32, #tpu.memory_space<vmem>>) attributes {dimension_semantics = [#tpu.dimension_semantics<arbitrary>], iteration_bounds = array<i64: 16>, scalar_prefetch = 0 : i64, scratch_operands = 0 : i64, tpu.core_type = #tpu.core_type<tc>, window_params = [{transform_indices = @transform_0, window_bounds = array<i64: 128, 50>}, {transform_indices = @transform_1, window_bounds = array<i64: 7168, 64>}, {transform_indices = @transform_2, window_bounds = array<i64: 128, 64>}, {transform_indices = @transform_3, window_bounds = array<i64: 128, 16>}, {transform_indices = @transform_4, window_bounds = array<i64: 128, 16>}, {pipeline_mode = #tpu.pipeline_mode<synchronous>, transform_indices = @transform_5, window_bounds = array<i64: 64, 64>}, {pipeline_mode = #tpu.pipeline_mode<synchronous>, transform_indices = @transform_6, window_bounds = array<i64: 1, 64>}, {pipeline_mode = #tpu.pipeline_mode<synchronous>, transform_indices = @transform_7, window_bounds = array<i64: 64, 64>}, {pipeline_mode = #tpu.pipeline_mode<synchronous>, transform_indices = @transform_8, window_bounds = array<i64: 1, 64>}, {pipeline_mode = #tpu.pipeline_mode<synchronous>, transform_indices = @transform_9, window_bounds = array<i64: 64, 64>}, {pipeline_mode = #tpu.pipeline_mode<synchronous>, transform_indices = @transform_10, window_bounds = array<i64: 1, 64>}, {pipeline_mode = #tpu.pipeline_mode<synchronous>, transform_indices = @transform_11, window_bounds = array<i64: 64, 64>}, {pipeline_mode = #tpu.pipeline_mode<synchronous>, transform_indices = @transform_12, window_bounds = array<i64: 1, 64>}, {pipeline_mode = #tpu.pipeline_mode<synchronous>, transform_indices = @transform_13, window_bounds = array<i64: 1, 64>}, {pipeline_mode = #tpu.pipeline_mode<synchronous>, transform_indices = @transform_14, window_bounds = array<i64: 1, 64>}, {transform_indices = @transform_15, window_bounds = array<i64: 128, 160>}]} {
    %get3A = arith.constant 0 : index
    %get3A_0 = arith.constant 0 : index
    %get3A_1 = vector.load %arg2[%get3A, %get3A_0] : memref<7168x64xf32, #tpu.memory_space<vmem>>, vector<7168x64xf32>
    %get3A_2 = arith.constant 0 : index
    %get3A_3 = arith.constant 0 : index
    %get3A_4 = vector.load %arg6[%get3A_2, %get3A_3] : memref<64x64xf32, #tpu.memory_space<vmem>>, vector<64x64xf32>
    %dot_general3A = arith.constant dense<0.000000e+00> : vector<7168x64xf32>
    %dot_general3A_5 = tpu.matmul %get3A_1, %get3A_4, %dot_general3A {dimension_numbers = #tpu.dot_dimension_numbers<[1], [0], [0], [1], [0, 0, 1, 1], [], []>, transpose_lhs_hint = false} : vector<7168x64xf32>, vector<64x64xf32>, vector<7168x64xf32> -> vector<7168x64xf32>
    %get3A_6 = arith.constant 0 : index
    %get3A_7 = arith.constant 0 : index
    %get3A_8 = vector.load %arg7[%get3A_6, %get3A_7] : memref<1x64xf32, #tpu.memory_space<vmem>>, vector<1x64xf32>
    %add3A = vector.broadcast %get3A_8 : vector<1x64xf32> to vector<7168x64xf32>
    %add3A_9 = arith.addf %dot_general3A_5, %add3A : vector<7168x64xf32>
    %get3A_10 = arith.constant 0 : index
    %get3A_11 = arith.constant 0 : index
    %get3A_12 = vector.load %arg8[%get3A_10, %get3A_11] : memref<64x64xf32, #tpu.memory_space<vmem>>, vector<64x64xf32>
    %dot_general3A_13 = arith.constant dense<0.000000e+00> : vector<7168x64xf32>
    %dot_general3A_14 = tpu.matmul %get3A_1, %get3A_12, %dot_general3A_13 {dimension_numbers = #tpu.dot_dimension_numbers<[1], [0], [0], [1], [0, 0, 1, 1], [], []>, transpose_lhs_hint = false} : vector<7168x64xf32>, vector<64x64xf32>, vector<7168x64xf32> -> vector<7168x64xf32>
    %get3A_15 = arith.constant 0 : index
    %get3A_16 = arith.constant 0 : index
    %get3A_17 = vector.load %arg9[%get3A_15, %get3A_16] : memref<1x64xf32, #tpu.memory_space<vmem>>, vector<1x64xf32>
    %add3A_18 = vector.broadcast %get3A_17 : vector<1x64xf32> to vector<7168x64xf32>
    %add3A_19 = arith.addf %dot_general3A_14, %add3A_18 : vector<7168x64xf32>
    %get3A_20 = arith.constant 0 : index
    %get3A_21 = arith.constant 0 : index
    %get3A_22 = vector.load %arg10[%get3A_20, %get3A_21] : memref<64x64xf32, #tpu.memory_space<vmem>>, vector<64x64xf32>
    %dot_general3A_23 = arith.constant dense<0.000000e+00> : vector<7168x64xf32>
    %dot_general3A_24 = tpu.matmul %get3A_1, %get3A_22, %dot_general3A_23 {dimension_numbers = #tpu.dot_dimension_numbers<[1], [0], [0], [1], [0, 0, 1, 1], [], []>, transpose_lhs_hint = false} : vector<7168x64xf32>, vector<64x64xf32>, vector<7168x64xf32> -> vector<7168x64xf32>
    %get3A_25 = arith.constant 0 : index
    %get3A_26 = arith.constant 0 : index
    %get3A_27 = vector.load %arg11[%get3A_25, %get3A_26] : memref<1x64xf32, #tpu.memory_space<vmem>>, vector<1x64xf32>
    %add3A_28 = vector.broadcast %get3A_27 : vector<1x64xf32> to vector<7168x64xf32>
    %add3A_29 = arith.addf %dot_general3A_24, %add3A_28 : vector<7168x64xf32>
    %reshape3A = vector.shape_cast %add3A_9 : vector<7168x64xf32> to vector<128x56x64xf32>
    %reshape3A_30 = vector.shape_cast %add3A_19 : vector<7168x64xf32> to vector<128x56x64xf32>
    %reshape3A_31 = vector.shape_cast %add3A_29 : vector<7168x64xf32> to vector<128x56x64xf32>
    %dot_general3A_32 = arith.constant dense<0.000000e+00> : vector<128x56x56xf32>
    %dot_general3A_33 = tpu.matmul %reshape3A, %reshape3A_30, %dot_general3A_32 {dimension_numbers = #tpu.dot_dimension_numbers<[2], [2], [1], [1], [0, 0, 0, 1, 1, 1], [0], [0]>, transpose_lhs_hint = false} : vector<128x56x64xf32>, vector<128x56x64xf32>, vector<128x56x56xf32> -> vector<128x56x56xf32>
    %mul3A = arith.constant 1.250000e-01 : f32
    %mul3A_34 = vector.broadcast %mul3A : f32 to vector<128x56x56xf32>
    %mul3A_35 = arith.mulf %dot_general3A_33, %mul3A_34 : vector<128x56x56xf32>
    %get3A_36 = arith.constant 0 : index
    %get3A_37 = arith.constant 0 : index
    %get3A_38 = vector.load %arg1[%get3A_36, %get3A_37] : memref<128x50xi32, #tpu.memory_space<vmem>>, vector<128x50xi32>
    %broadcast_in_dim3A = arith.constant 0 : i32
    %broadcast_in_dim3A_39 = vector.broadcast %broadcast_in_dim3A : i32 to vector<128x6xi32>
    %concatenate3A = tpu.concatenate %get3A_38, %broadcast_in_dim3A_39 in 1 : vector<128x50xi32>, vector<128x6xi32> -> vector<128x56xi32>
    %ne3A = arith.constant 0 : i32
    %ne3A_40 = vector.broadcast %ne3A : i32 to vector<128x56xi32>
    %ne3A_41 = arith.cmpi ne, %concatenate3A, %ne3A_40 : vector<128x56xi32>
    %iota3A = tpu.iota {dimensions = array<i32: 1>} : vector<128x56xi32>
    %ge3A = arith.constant 50 : i32
    %ge3A_42 = vector.broadcast %ge3A : i32 to vector<128x56xi32>
    %ge3A_43 = arith.cmpi sge, %iota3A, %ge3A_42 : vector<128x56xi32>
    %not3A = arith.constant dense<true> : vector<128x56xi1>
    %not3A_44 = arith.xori %ge3A_43, %not3A : vector<128x56xi1>
    %and3A = arith.andi %ne3A_41, %not3A_44 : vector<128x56xi1>
    %broadcast_in_dim3A_45 = vector.shape_cast %ne3A_41 : vector<128x56xi1> to vector<128x1x56xi1>
    %jit3A = arith.constant -1.000000e+09 : f32
    %broadcast_in_dim3A_46 = vector.shape_cast %broadcast_in_dim3A_45 : vector<128x1x56xi1> to vector<128x1x56xi1>
    %broadcast_in_dim3A_47 = vector.broadcast %broadcast_in_dim3A_46 : vector<128x1x56xi1> to vector<128x56x56xi1>
    %broadcast_in_dim3A_48 = vector.broadcast %jit3A : f32 to vector<128x56x56xf32>
    %select_n3A = arith.select %broadcast_in_dim3A_47, %mul3A_35, %broadcast_in_dim3A_48 : vector<128x56x56xi1>, vector<128x56x56xf32>
    %broadcast_in_dim3A_49 = vector.shape_cast %ge3A_43 : vector<128x56xi1> to vector<128x1x56xi1>
    %jit3A_50 = arith.constant -2.000000e+09 : f32
    %broadcast_in_dim3A_51 = vector.shape_cast %broadcast_in_dim3A_49 : vector<128x1x56xi1> to vector<128x1x56xi1>
    %broadcast_in_dim3A_52 = vector.broadcast %broadcast_in_dim3A_51 : vector<128x1x56xi1> to vector<128x56x56xi1>
    %broadcast_in_dim3A_53 = vector.broadcast %jit3A_50 : f32 to vector<128x56x56xf32>
    %select_n3A_54 = arith.select %broadcast_in_dim3A_52, %broadcast_in_dim3A_53, %select_n3A : vector<128x56x56xi1>, vector<128x56x56xf32>
    %reduce_max3A = arith.constant dense<0xFF800000> : vector<128x56xf32>
    %reduce_max3A_55 = vector.multi_reduction <maximumf>, %select_n3A_54, %reduce_max3A [2] : vector<128x56x56xf32> to vector<128x56xf32>
    %broadcast_in_dim3A_56 = vector.shape_cast %reduce_max3A_55 : vector<128x56xf32> to vector<128x56x1xf32>
    %sub3A = vector.broadcast %broadcast_in_dim3A_56 : vector<128x56x1xf32> to vector<128x56x56xf32>
    %sub3A_57 = arith.subf %select_n3A_54, %sub3A : vector<128x56x56xf32>
    %exp3A = math.exp %sub3A_57 : vector<128x56x56xf32>
    %reduce_sum3A = arith.constant dense<0.000000e+00> : vector<128x56xf32>
    %reduce_sum3A_58 = vector.multi_reduction <add>, %exp3A, %reduce_sum3A [2] : vector<128x56x56xf32> to vector<128x56xf32>
    %broadcast_in_dim3A_59 = vector.shape_cast %reduce_sum3A_58 : vector<128x56xf32> to vector<128x56x1xf32>
    %div3A = vector.broadcast %broadcast_in_dim3A_59 : vector<128x56x1xf32> to vector<128x56x56xf32>
    %div3A_60 = arith.divf %exp3A, %div3A : vector<128x56x56xf32>
    %dot_general3A_61 = arith.constant dense<0.000000e+00> : vector<128x56x64xf32>
    %dot_general3A_62 = tpu.matmul %div3A_60, %reshape3A_31, %dot_general3A_61 {dimension_numbers = #tpu.dot_dimension_numbers<[2], [1], [1], [2], [0, 0, 0, 1, 1, 2], [0], [0]>, transpose_lhs_hint = false} : vector<128x56x56xf32>, vector<128x56x64xf32>, vector<128x56x64xf32> -> vector<128x56x64xf32>
    %reshape3A_63 = vector.shape_cast %dot_general3A_62 : vector<128x56x64xf32> to vector<7168x64xf32>
    %get3A_64 = arith.constant 0 : index
    %get3A_65 = arith.constant 0 : index
    %get3A_66 = vector.load %arg12[%get3A_64, %get3A_65] : memref<64x64xf32, #tpu.memory_space<vmem>>, vector<64x64xf32>
    %dot_general3A_67 = arith.constant dense<0.000000e+00> : vector<7168x64xf32>
    %dot_general3A_68 = tpu.matmul %reshape3A_63, %get3A_66, %dot_general3A_67 {dimension_numbers = #tpu.dot_dimension_numbers<[1], [0], [0], [1], [0, 0, 1, 1], [], []>, transpose_lhs_hint = false} : vector<7168x64xf32>, vector<64x64xf32>, vector<7168x64xf32> -> vector<7168x64xf32>
    %add3A_69 = arith.addf %get3A_1, %dot_general3A_68 : vector<7168x64xf32>
    %get3A_70 = arith.constant 0 : index
    %get3A_71 = arith.constant 0 : index
    %get3A_72 = vector.load %arg13[%get3A_70, %get3A_71] : memref<1x64xf32, #tpu.memory_space<vmem>>, vector<1x64xf32>
    %add3A_73 = vector.broadcast %get3A_72 : vector<1x64xf32> to vector<7168x64xf32>
    %add3A_74 = arith.addf %add3A_69, %add3A_73 : vector<7168x64xf32>
    %reduce_sum3A_75 = arith.constant dense<0.000000e+00> : vector<7168xf32>
    %reduce_sum3A_76 = vector.multi_reduction <add>, %add3A_74, %reduce_sum3A_75 [1] : vector<7168x64xf32> to vector<7168xf32>
    %broadcast_in_dim3A_77 = vector.shape_cast %reduce_sum3A_76 : vector<7168xf32> to vector<7168x1xf32>
    %div3A_78 = arith.constant 6.400000e+01 : f32
    %div3A_79 = vector.broadcast %div3A_78 : f32 to vector<7168x1xf32>
    %div3A_80 = arith.divf %broadcast_in_dim3A_77, %div3A_79 : vector<7168x1xf32>
    %sub3A_81 = vector.broadcast %div3A_80 : vector<7168x1xf32> to vector<7168x64xf32>
    %sub3A_82 = arith.subf %add3A_74, %sub3A_81 : vector<7168x64xf32>
    %integer_pow3A = arith.mulf %sub3A_82, %sub3A_82 : vector<7168x64xf32>
    %reduce_sum3A_83 = arith.constant dense<0.000000e+00> : vector<7168xf32>
    %reduce_sum3A_84 = vector.multi_reduction <add>, %integer_pow3A, %reduce_sum3A_83 [1] : vector<7168x64xf32> to vector<7168xf32>
    %broadcast_in_dim3A_85 = vector.shape_cast %reduce_sum3A_84 : vector<7168xf32> to vector<7168x1xf32>
    %div3A_86 = arith.constant 6.400000e+01 : f32
    %div3A_87 = vector.broadcast %div3A_86 : f32 to vector<7168x1xf32>
    %div3A_88 = arith.divf %broadcast_in_dim3A_85, %div3A_87 : vector<7168x1xf32>
    %get3A_89 = arith.constant 0 : index
    %get3A_90 = arith.constant 0 : index
    %get3A_91 = vector.load %arg14[%get3A_89, %get3A_90] : memref<1x64xf32, #tpu.memory_space<vmem>>, vector<1x64xf32>
    %sub3A_92 = vector.broadcast %div3A_80 : vector<7168x1xf32> to vector<7168x64xf32>
    %sub3A_93 = arith.subf %add3A_74, %sub3A_92 : vector<7168x64xf32>
    %mul3A_94 = vector.broadcast %get3A_91 : vector<1x64xf32> to vector<7168x64xf32>
    %mul3A_95 = arith.mulf %mul3A_94, %sub3A_93 : vector<7168x64xf32>
    %add3A_96 = arith.constant 1.000000e-03 : f32
    %add3A_97 = vector.broadcast %add3A_96 : f32 to vector<7168x1xf32>
    %add3A_98 = arith.addf %div3A_88, %add3A_97 : vector<7168x1xf32>
    %sqrt3A = math.sqrt %add3A_98 : vector<7168x1xf32>
    %div3A_99 = vector.broadcast %sqrt3A : vector<7168x1xf32> to vector<7168x64xf32>
    %div3A_100 = arith.divf %mul3A_95, %div3A_99 : vector<7168x64xf32>
    %get3A_101 = arith.constant 0 : index
    %get3A_102 = arith.constant 0 : index
    %get3A_103 = vector.load %arg15[%get3A_101, %get3A_102] : memref<1x64xf32, #tpu.memory_space<vmem>>, vector<1x64xf32>
    %add3A_104 = vector.broadcast %get3A_103 : vector<1x64xf32> to vector<7168x64xf32>
    %add3A_105 = arith.addf %div3A_100, %add3A_104 : vector<7168x64xf32>
    %reshape3A_106 = vector.shape_cast %add3A_105 : vector<7168x64xf32> to vector<128x56x64xf32>
    %convert_element_type3A = arith.extui %and3A : vector<128x56xi1> to vector<128x56xi32>
    %convert_element_type3A_107 = arith.sitofp %convert_element_type3A : vector<128x56xi32> to vector<128x56xf32>
    %broadcast_in_dim3A_108 = vector.shape_cast %convert_element_type3A_107 : vector<128x56xf32> to vector<128x56x1xf32>
    %mul3A_109 = vector.broadcast %broadcast_in_dim3A_108 : vector<128x56x1xf32> to vector<128x56x64xf32>
    %mul3A_110 = arith.mulf %reshape3A_106, %mul3A_109 : vector<128x56x64xf32>
    %reduce_sum3A_111 = arith.constant dense<0.000000e+00> : vector<128x64xf32>
    %reduce_sum3A_112 = vector.multi_reduction <add>, %mul3A_110, %reduce_sum3A_111 [1] : vector<128x56x64xf32> to vector<128x64xf32>
    %reduce_sum3A_113 = arith.constant dense<0.000000e+00> : vector<128x1xf32>
    %reduce_sum3A_114 = vector.multi_reduction <add>, %broadcast_in_dim3A_108, %reduce_sum3A_113 [1] : vector<128x56x1xf32> to vector<128x1xf32>
    %jit3A_115 = arith.constant 1.000000e+00 : f32
    %max3A = vector.broadcast %jit3A_115 : f32 to vector<128x1xf32>
    %max3A_116 = arith.maximumf %max3A, %reduce_sum3A_114 : vector<128x1xf32>
    %div3A_117 = vector.broadcast %max3A_116 : vector<128x1xf32> to vector<128x64xf32>
    %div3A_118 = arith.divf %reduce_sum3A_112, %div3A_117 : vector<128x64xf32>
    %get3A_119 = arith.constant 0 : index
    %get3A_120 = arith.constant 0 : index
    %get3A_121 = vector.load %arg3[%get3A_119, %get3A_120] : memref<128x64xf32, #tpu.memory_space<vmem>>, vector<128x64xf32>
    %swap3A = arith.constant 0 : index
    %swap3A_122 = arith.constant 0 : index
    %swap3A_123 = vector.load %arg16[%swap3A, %swap3A_122] : memref<128x160xf32, #tpu.memory_space<vmem>>, vector<128x64xf32>
    tpu.vector_store %arg16[%swap3A, %swap3A_122], %get3A_121 {strides = array<i32>} : memref<128x160xf32, #tpu.memory_space<vmem>>, vector<128x64xf32>,
    %swap3A_124 = arith.constant 0 : index
    %swap3A_125 = arith.constant 64 : index
    %swap3A_126 = vector.load %arg16[%swap3A_124, %swap3A_125] : memref<128x160xf32, #tpu.memory_space<vmem>>, vector<128x64xf32>
    tpu.vector_store %arg16[%swap3A_124, %swap3A_125], %div3A_118 {strides = array<i32>} : memref<128x160xf32, #tpu.memory_space<vmem>>, vector<128x64xf32>,
    %get3A_127 = arith.constant 0 : index
    %get3A_128 = arith.constant 0 : index
    %get3A_129 = vector.load %arg4[%get3A_127, %get3A_128] : memref<128x16xf32, #tpu.memory_space<vmem>>, vector<128x16xf32>
    %swap3A_130 = arith.constant 0 : index
    %swap3A_131 = arith.constant 128 : index
    %swap3A_132 = vector.load %arg16[%swap3A_130, %swap3A_131] : memref<128x160xf32, #tpu.memory_space<vmem>>, vector<128x16xf32>
    tpu.vector_store %arg16[%swap3A_130, %swap3A_131], %get3A_129 {strides = array<i32>} : memref<128x160xf32, #tpu.memory_space<vmem>>, vector<128x16xf32>,
    %get3A_133 = arith.constant 0 : index
    %get3A_134 = arith.constant 0 : index
    %get3A_135 = vector.load %arg5[%get3A_133, %get3A_134] : memref<128x16xf32, #tpu.memory_space<vmem>>, vector<128x16xf32>
    %swap3A_136 = arith.constant 0 : index
    %swap3A_137 = arith.constant 144 : index
    %swap3A_138 = vector.load %arg16[%swap3A_136, %swap3A_137] : memref<128x160xf32, #tpu.memory_space<vmem>>, vector<128x16xf32>
    tpu.vector_store %arg16[%swap3A_136, %swap3A_137], %get3A_135 {strides = array<i32>} : memref<128x160xf32, #tpu.memory_space<vmem>>, vector<128x16xf32>,
    return
  }
  func.func @transform_0(%arg0: i32) -> (i32, i32) {
    %c0_i32 = arith.constant 0 : i32
    %c0_i32_0 = arith.constant 0 : i32
    return %arg0, %c0_i32 : i32, i32
  }
  func.func @transform_1(%arg0: i32) -> (i32, i32) {
    %c0_i32 = arith.constant 0 : i32
    %c0_i32_0 = arith.constant 0 : i32
    return %arg0, %c0_i32 : i32, i32
  }
  func.func @transform_2(%arg0: i32) -> (i32, i32) {
    %c0_i32 = arith.constant 0 : i32
    %c0_i32_0 = arith.constant 0 : i32
    return %arg0, %c0_i32 : i32, i32
  }
  func.func @transform_3(%arg0: i32) -> (i32, i32) {
    %c0_i32 = arith.constant 0 : i32
    %c0_i32_0 = arith.constant 0 : i32
    return %arg0, %c0_i32 : i32, i32
  }
  func.func @transform_4(%arg0: i32) -> (i32, i32) {
    %c0_i32 = arith.constant 0 : i32
    %c0_i32_0 = arith.constant 0 : i32
    return %arg0, %c0_i32 : i32, i32
  }
  func.func @transform_5(%arg0: i32) -> (i32, i32) {
    %c0_i32 = arith.constant 0 : i32
    %c0_i32_0 = arith.constant 0 : i32
    %c0_i32_1 = arith.constant 0 : i32
    return %c0_i32, %c0_i32_0 : i32, i32
  }
  func.func @transform_6(%arg0: i32) -> (i32, i32) {
    %c0_i32 = arith.constant 0 : i32
    %c0_i32_0 = arith.constant 0 : i32
    %c0_i32_1 = arith.constant 0 : i32
    return %c0_i32, %c0_i32_0 : i32, i32
  }
  func.func @transform_7(%arg0: i32) -> (i32, i32) {
    %c0_i32 = arith.constant 0 : i32
    %c0_i32_0 = arith.constant 0 : i32
    %c0_i32_1 = arith.constant 0 : i32
    return %c0_i32, %c0_i32_0 : i32, i32
  }
  func.func @transform_8(%arg0: i32) -> (i32, i32) {
    %c0_i32 = arith.constant 0 : i32
    %c0_i32_0 = arith.constant 0 : i32
    %c0_i32_1 = arith.constant 0 : i32
    return %c0_i32, %c0_i32_0 : i32, i32
  }
  func.func @transform_9(%arg0: i32) -> (i32, i32) {
    %c0_i32 = arith.constant 0 : i32
    %c0_i32_0 = arith.constant 0 : i32
    %c0_i32_1 = arith.constant 0 : i32
    return %c0_i32, %c0_i32_0 : i32, i32
  }
  func.func @transform_10(%arg0: i32) -> (i32, i32) {
    %c0_i32 = arith.constant 0 : i32
    %c0_i32_0 = arith.constant 0 : i32
    %c0_i32_1 = arith.constant 0 : i32
    return %c0_i32, %c0_i32_0 : i32, i32
  }
  func.func @transform_11(%arg0: i32) -> (i32, i32) {
    %c0_i32 = arith.constant 0 : i32
    %c0_i32_0 = arith.constant 0 : i32
    %c0_i32_1 = arith.constant 0 : i32
    return %c0_i32, %c0_i32_0 : i32, i32
  }
  func.func @transform_12(%arg0: i32) -> (i32, i32) {
    %c0_i32 = arith.constant 0 : i32
    %c0_i32_0 = arith.constant 0 : i32
    %c0_i32_1 = arith.constant 0 : i32
    return %c0_i32, %c0_i32_0 : i32, i32
  }
  func.func @transform_13(%arg0: i32) -> (i32, i32) {
    %c0_i32 = arith.constant 0 : i32
    %c0_i32_0 = arith.constant 0 : i32
    %c0_i32_1 = arith.constant 0 : i32
    return %c0_i32, %c0_i32_0 : i32, i32
  }
  func.func @transform_14(%arg0: i32) -> (i32, i32) {
    %c0_i32 = arith.constant 0 : i32
    %c0_i32_0 = arith.constant 0 : i32
    %c0_i32_1 = arith.constant 0 : i32
    return %c0_i32, %c0_i32_0 : i32, i32
  }
  func.func @transform_15(%arg0: i32) -> (i32, i32) {
    %c0_i32 = arith.constant 0 : i32
    %c0_i32_0 = arith.constant 0 : i32
    return %arg0, %c0_i32 : i32, i32
  }
}

</mosaic_0001>

<sc_bundles>
// kernel: kernel.6.cloned.1.call-start
scs
__scs_entry_jumppad:
0x0: {  	(pc) =	sbr.rel $0x88, $3  }
0x1: {  	(tag) =	ssettag $0x0;
	lr =	simm.s32 $0x1  }
0x2: {  	[smem:$0x3F8F] =	sst lr;
	_ =	strace $0xD0000000  }
0x3: {  	_ = 	snop  }
0x4: {  	_ = 	snop  }
0x5: {  	_ = 	snop  }
0x6: {  	_ = 	snop  }
0x7: {  	_ = 	snop  }
__scs_overlays_trampoline_lowered:
0x8: {  	[smem:$0x3F9E] =	sst s0  }
0x9: {  	[smem:$0x3F9F] =	sst s1  }
0xa: {  	[smem:$0x3FA0] =	sst s2  }
0xb: {  	[smem:$0x3FA1] =	sst s3  }
0xc: {  	[smem:$0x3FA2] =	sst s4  }
0xd: {  	[smem:$0x3FA3] =	sst s5  }
0xe: {  	[smem:$0x3FA4] =	sst s6  }
0xf: {  	[smem:$0x3FA5] =	sst s7  }
0x10: {  	[smem:$0x3FA6] =	sst s8  }
0x11: {  	[smem:$0x3FA7] =	sst s9;
	s0 =	simm.s32 @!p0 $0x0  }
0x12: {  	s1 =	sld [smem:$0x3F8D];
	s0 =	simm.s32 @p0 $0x1  }
0x13: {  	[smem:$0x3FA8] =	sst s0;
	s0 =	simm.s32 @!p1 $0x0  }
0x14: {  	s2 =	sld [smem:$0x3F8C];
	s0 =	simm.s32 @p1 $0x1  }
0x15: {  	[smem:$0x3FA9] =	sst s0;
	s0 =	simm.s32 @!p2 $0x0  }
0x16: {  	s3 =	sld [smem:$0x3FDB];
	s0 =	simm.s32 @p2 $0x1  }
0x17: {  	s4 =	simm.s32 $0x1BF5;
	[smem:$0x3FAB] =	sst s0  }
0x18: {  	s0 =	sld [smem:$0x3F8E];
	_ =	swait.ge [sflag:s4], $0x0  }
0x19: {  	s7 =	sld [smem:$0x3F8F]  }
0x1a: {  	s8 =	sadd.s32 $0xFFFFE003, lr  }
0x1b: {  	s9 =	sadd.s32 $0xFFFFFEF7, lr;
	s5 =	simm.s32 $0xFFFFFFFF;
	p2 =	slt.u32 s8, $0xFFFFF086  }
0x1c: {  	p1 =	slt.u32 s9, $0xF7A;
	s5 =	simm.s32 @!p2 $0x0  }
0x1d: {  	s5 =	simm.s32 @p1 $0x1;
	p0 =	seq.s32 s7, s2  }
0x1e: {  	s7 =	smul.u32 @!p0 $0xF7A, s2;
	p2 =	seq.s32 @!p0 s5, $0x0  }
0x1f: {  	s9 =	smul.u32 $0xF7A, s1;
	s8 =	simm.s32 @!p0 $0x1BF5;
	p2 =	por !p2, p0  }
0x20: {  	[sflag:s8] =	ssyncset.s32 @!p0 $0xFFFFF086;
	s6 =	sadd.s32 @!p0 s3, s7;
	s7 =	simm.s32 @!p0 $0x108  }
0x21: {  	s3 =	sadd.s32 s3, s9;
	s6 =	sadd.s32 @!p0 $0x88, s6;
	s7 =	simm.s32 @p2 $0x1082  }
0x22: {  	[simem:s7], [sflag:s8] =	dma.local @!p0 [hbm:s6], $0xF7A  }
0x23: {  	s9 =	sor.u32 $0xD0000000, s2;
	s6 =	simm.s32 $0x108;
	_ =	swait.ge @!p0 [sflag:s8], $0x0  }
0x24: {  	s3 =	sadd.s32 $0x88, s3;
	s6 =	simm.s32 @!p1 $0x1082;
	[sflag:s4] =	ssyncset.s32 $0xFFFFF086  }
0x25: {  	[simem:s6], [sflag:s4] =	dma.local [hbm:s3], $0xF7A  }
0x26: {  	[smem:$0x3F8F] =	sst s1;
	(tag) =	ssettag s2;
	_ =	strace s9  }
0x27: {  	s1 =	sld [smem:$0x3F9F]  }
0x28: {  	s2 =	sld [smem:$0x3FA0]  }
0x29: {  	s4 =	sld [smem:$0x3FA2]  }
0x2a: {  	p0 =	seq.s32 s5, $0x0;
	s5 =	sld [smem:$0x3FA3]  }
0x2b: {  	s6 =	sld [smem:$0x3FA4]  }
0x2c: {  	s7 =	sld [smem:$0x3FA5]  }
0x2d: {  	s3 =	simm.s32 $0x108;
	s8 =	sld [smem:$0x3FA6]  }
0x2e: {  	s3 =	simm.s32 @!p0 $0x1082;
	s9 =	sld [smem:$0x3FA7]  }
0x2f: {  	lr =	sadd.s32 s0, s3;
	s0 =	sld [smem:$0x3F9E]  }
0x30: {  	s3 =	sld [smem:$0x3FA1]  }
0x31: {  	[smem:$0x3FAA] =	sst s10  }
0x32: {  	s10 =	sld [smem:$0x3FA8];
	_ =	sdelay $0x3  }
0x33: {  	p0 =	seq.s32 s10, $0x1;
	s10 =	sld [smem:$0x3FAA];
	_ =	sdelay $0x3  }
0x34: {  	[smem:$0x3FAA] =	sst s10  }
0x35: {  	s10 =	sld [smem:$0x3FA9];
	_ =	sdelay $0x3  }
0x36: {  	p1 =	seq.s32 s10, $0x1;
	s10 =	sld [smem:$0x3FAA];
	_ =	sdelay $0x3  }
0x37: {  	[smem:$0x3FAA] =	sst s10  }
0x38: {  	s10 =	sld [smem:$0x3FAB]  }
0x39: {  	_ = 	snop;
	(pc) =	sbr.ind lr, $3  }
0x3a: {  	_ = 	snop  }
0x3b: {  	_ = 	snop  }
0x3c: {  	p2 =	seq.s32 s10, $0x1;
	s10 =	sld [smem:$0x3FAA]  }
0x3d: {  	_ =	shalt  }
0x3e: {  	_ =	shalt  }
0x3f: {  	_ =	shalt  }
0x40: {  	_ =	shalt  }
0x41: {  	_ =	shalt  }
0x42: {  	_ =	shalt  }
0x43: {  	_ =	shalt  }
0x44: {  	_ =	shalt  }
0x45: {  	_ =	shalt  }
0x46: {  	_ =	shalt  }
0x47: {  	_ =	shalt  }
0x48: {  	_ =	shalt  }
0x49: {  	_ =	shalt  }
0x4a: {  	_ =	shalt  }
0x4b: {  	_ =	shalt  }
0x4c: {  	_ =	shalt  }
0x4d: {  	_ =	shalt  }
0x4e: {  	_ =	shalt  }
0x4f: {  	_ =	shalt  }
0x50: {  	_ =	shalt  }
0x51: {  	_ =	shalt  }
0x52: {  	_ =	shalt  }
0x53: {  	_ =	shalt  }
0x54: {  	_ =	shalt  }
0x55: {  	_ =	shalt  }
0x56: {  	_ =	shalt  }
0x57: {  	_ =	shalt  }
0x58: {  	_ =	shalt  }
0x59: {  	_ =	shalt  }
0x5a: {  	_ =	shalt  }
0x5b: {  	_ =	shalt  }
0x5c: {  	_ =	shalt  }
0x5d: {  	_ =	shalt  }
0x5e: {  	_ =	shalt  }
0x5f: {  	_ =	shalt  }
0x60: {  	_ =	shalt  }
0x61: {  	_ =	shalt  }
0x62: {  	_ =	shalt  }
0x63: {  	_ =	shalt  }
0x64: {  	_ =	shalt  }
0x65: {  	_ =	shalt  }
0x66: {  	_ =	shalt  }
0x67: {  	_ =	shalt  }
0x68: {  	_ =	shalt  }
0x69: {  	_ =	shalt  }
0x6a: {  	_ =	shalt  }
0x6b: {  	_ =	shalt  }
0x6c: {  	_ =	shalt  }
0x6d: {  	_ =	shalt  }
0x6e: {  	_ =	shalt  }
0x6f: {  	_ =	shalt  }
0x70: {  	_ =	shalt  }
0x71: {  	_ =	shalt  }
0x72: {  	_ =	shalt  }
0x73: {  	_ =	shalt  }
0x74: {  	_ =	shalt  }
0x75: {  	_ =	shalt  }
0x76: {  	_ =	shalt  }
0x77: {  	_ =	shalt  }
0x78: {  	_ =	shalt  }
0x79: {  	_ =	shalt  }
0x7a: {  	_ =	shalt  }
0x7b: {  	_ =	shalt  }
0x7c: {  	_ =	shalt  }
0x7d: {  	_ =	shalt  }
0x7e: {  	_ =	shalt  }
0x7f: {  	_ =	shalt  }
0x80: {  	_ =	shalt  }
0x81: {  	_ =	shalt  }
0x82: {  	_ =	shalt  }
0x83: {  	_ =	shalt  }
0x84: {  	_ =	shalt  }
0x85: {  	_ =	shalt  }
0x86: {  	_ =	shalt  }
0x87: {  	_ =	shalt  }
.Lfunc_end0:
.L_simem_size_0:
called_computation_lowered:
.L_overlay_start_0:
0x88: {  	s2 =	sld [smem:$0x3FD9]  }
0x89: {  	s3 =	sld [smem:$0x3FFE];
	_ =	sdelay $0x1  }
0x8a: {  	s1 =	srdreg.scid  }
0x8b: {  	s0 =	sand.u32 $0x1, s1  }
0x8c: {  	s16 =	sshll.u32 s0, $0xA;
	s2 =	sadd.s32 s3, s2  }
0x8d: {  	s2 =	sadd.s32 s2, s16  }
0x8e: {  	[smem:$0x3FB6] =	sst s2  }
0x8f: {  	_ = 	snop  }
0x90: {  	(tm) =	ssettm $0x1  }
0x91: {  	s17 =	sld [smem:$0x3FFB];
	_ =	sdelay $0x3  }
0x92: {  	_ =	strace s17  }
0x93: {  	s2 =	sld [smem:$0x3FFC];
	_ =	sdelay $0x3  }
0x94: {  	_ =	strace s2  }
0x95: {  	s2 =	sld [smem:$0x3FFD];
	_ =	sdelay $0x3  }
0x96: {  	_ =	strace s2  }
0x97: {  	_ =	strace $0x8FFFFFFF  }
0x98: {  	s18 =	sld [smem:$0x3FDB];
	_ =	sdelay $0x1  }
0x99: {  	s19 =	simm.s32 $_scs_section_size  }
0x9a: {  	s4 =	simm.s32 $_size__tile_overlayer_lowered;
	s5 =	simm.s32 $_tile_overlayer_lowered  }
0x9b: {  	s22 =	simm.s32 $0x1BFF;
	s21 =	sshll.u32 s5, $0x1;
	s2 =	sadd.s32 s19, s18  }
0x9c: {  	s6 =	simm.s32 $0x0;
	s20 =	sshll.u32 s4, $0x1;
	s4 =	sadd.s32 s21, s2  }
0x9d: {  	[timem:s6], [sflag:s22] =	dma.local [hbm:s4], s20  }
0x9e: {  	_ =	swait.ge [sflag:s22], s20  }
0x9f: {  	s3 =	ssub.s32 $0x0, s20;
	[sflag:s22] =	ssyncset.done $0x0  }
0xa0: {  	[sflag:s22] =	ssyncadd.s32 s3;
	_ =	sdelay $0x1  }
0xa1: {  	s23 =	simm.s32 $0x1B8B  }
0xa2: {  	_ =	swait.ge [sflag:s23], $0x1  }
0xa3: {  	[sflag:s23] =	ssyncset.done $0x0  }
0xa4: {  	s25 =	simm.s32 $0x1B8E;
	s24 =	sld [smem:$0x3FFE];
	[sflag:s23] =	ssyncadd.s32 $0xFFFFFFFF  }
0xa5: {  	s26 =	simm.s32 $execute0_lowered;
	[smem:$0x3FD2] =	sst s25  }
0xa6: {  	s4 =	sshll.u32 s26, $0x1;
	_ =	strace $0x80000046;
	[dreg:$0x1] =	wrdreg $0xFFFFFFFF  }
0xa7: {  	s28 =	simm.s32 $_size_execute0_lowered;
	s2 =	sadd.s32 s2, s4;
	[dreg:$0x0] =	wrdreg $0x0  }
0xa8: {  	s4 =	sshll.u32 s28, $0x1;
	[dreg:$0x2] =	wrdreg s2  }
0xa9: {  	[dreg:$0x3] =	wrdreg s4  }
0xaa: {  	[dreg:$0x4] =	wrdreg $0xC0  }
0xab: {  	_ =	task [dreg:s6], $0x5FFFF  }
0xac: {  	[dreg:$0x1] =	wrdreg $0xFFFFFFFF  }
0xad: {  	[dreg:$0x0] =	wrdreg $0x60  }
0xae: {  	[dreg:$0x2] =	wrdreg s24  }
0xaf: {  	[dreg:$0x3] =	wrdreg $0x9  }
0xb0: {  	_ =	task.clear_ibuf [dreg:s6], $0x4FFFF;
	_ =	strace $0x90000046  }
0xb1: {  	s29 =	simm.s32 $0x9;
	_ =	strace $0x80000048  }
0xb2: {  	_ =	swait.ge [sflag:s29], $0x1  }
0xb3: {  	[sflag:s29] =	ssyncadd.s32 $0xFFFFFFFF  }
0xb4: {  	_ =	strace $0x90000048  }
0xb5: {  	_ =	sfence  }
0xb6: {  	s30 =	sld [smem:$0x0];
	_ =	sdelay $0x2  }
0xb7: {  	s31 =	sshll.u32 s1, $0xD;
	s1 =	sshrl.u32 s1, $0x2  }
0xb8: {  	s3 =	sand.u32 $0x4000, s31;
	s1 =	sadd.s32 s1, s30  }
0xb9: {  	s0 =	sor.u32 s3, s0;
	s1 =	sshll.u32 s1, $0x11  }
0xba: {  	s0 =	sor.u32 s1, s0  }
0xbb: {  	s0 =	sadd.s32 $0x8F2B, s0  }
0xbc: {  	[sflag:s0] =	ssyncadd.remote.s32 $0x1  }
0xbd: {  	_ =	sfence.sel $0xFFFF  }
0xbe: {  	[dreg:$0x0] =	wrdreg $0xFFFFFFFF;
	(pc) =	sbr.abs _section_cstart, $3  }
0xbf: {  	[dreg:$0x1] =	wrdreg $0xFFFFFFFF  }
0xc0: {  	_ =	task.clear_ibuf [dreg:s6], $0x2FFFF;
	_ =	strace $0x9FFFFFFF  }
0xc1: {  	(tm) =	ssettm $0x7FFFFFFF  }
tec
execute0_lowered:
.L_overlay_start_1:
0x0: {  	(tag) =	ssettag $0x1  }
0x1: {  	s0 =	srdreg.scid  }
0x2: {  	s1 =	stileid.u32;
	s4 =	rddreg [dreg:$0x0];
	s2 =	simm.s32 $0x0  }
0x3: {  	s19 =	simm.s32 $0xFC00;
	s20 =	simm.s32 $0x3;
	s21 =	simm.s32 $0x10C40  }
0x4: {  	s28 =	simm.s32 $0x80;
	s29 =	simm.s32 $0xE00;
	s30 =	simm.s32 $0x1C00  }
0x5: {  	s0 =	sand.u32 $0x1, s0;
	[smem:$0x7FF] =	sst s2;
	s8 =	sadd.s32 $0x190600, s4  }
0x6: {  	s24 =	sadd.s32 $0x9A00, s4;
	_ =	strace $0x80000047;
	[dreg:$0x2] =	wrdreg s8  }
0x7: {  	s1 =	sshll.u32 s1, $0x1;
	s25 =	sadd.s32 $0xA800, s4;
	[dreg:$0x3] =	wrdreg s24  }
0x8: {  	s31 =	simm.s32 $0x5C00;
	s1 =	sor.u32 s0, s1;
	[dreg:$0x4] =	wrdreg s25  }
0x9: {  	s0 =	ssub.s32 $0x2, s0;
	s3 =	smul.u32 $0x1C0, s1;
	s6 =	sshll.u32 s1, $0x3  }
0xa: {  	s7 =	smul.u32 $0x7000, s1;
	s26 =	sshll.u32 s1, $0x9;
	s9 =	sshll.u32 s1, $0x7  }
0xb: {  	s10 =	sshrl.u32 s0, $0x1;
	s11 =	sshll.u32 s1, $0x6;
	s1 =	simm.s32 $0x3C00  }
0xc: {  	s6 =	sadd.s32 s6, s4;
	s8 =	sadd.s32 s26, s4;
	s0 =	ssub.s32 s0, s10  }
0xd: {  	s5 =	sadd.s32 s3, s4;
	s3 =	sadd.s32 $0x253C00, s4;
	s7 =	sadd.s32 s7, s4  }
0xe: {  	s4 =	sadd.s32 s9, s4;
	s22 =	sadd.s32 $0xA400, s6;
	s23 =	sadd.s32 $0xA000, s6  }
0xf: {  	s24 =	sadd.s32 $0x9C00, s6;
	s26 =	sadd.s32 $0xECA00, s8;
	[dreg:$0x5] =	wrdreg s22  }
0x10: {  	s14 =	smax.u32 s0, $0x1;
	s0 =	simm.s32 $0x7C00;
	[dreg:$0x6] =	wrdreg s23  }
0x11: {  	s6 =	simm.s32 $0xDC00;
	s8 =	simm.s32 $0x2;
	[dreg:$0x7] =	wrdreg s24  }
0x12: {  	s9 =	simm.s32 $0x0;
	s25 =	sadd.s32 $0x6200, s5;
	[dreg:$0x9] =	wrdreg s26  }
0x13: {  	s12 =	sadd.s32 $0xEBA00, s4;
	s13 =	sadd.s32 $0xEAA00, s4;
	s15 =	sadd.s32 $0xAA00, s7  }
0x14: {  	s16 =	sadd.s32 $0xC600, s7;
	s17 =	sadd.s32 $0xE200, s7;
	s18 =	sadd.s32 $0xFE00, s7  }
0x15: {  	s22 =	simm.s32 $0x11080;
	s23 =	simm.s32 $0x40;
	s24 =	simm.s32 $0xFC40  }
0x16: {  	s26 =	simm.s32 $0x110C0;
	s4 =	simm.s32 $0x9C00;
	s5 =	simm.s32 $0xBC00  }
0x17: {  	v1 =	vlaneseq.u32;
	v0 =	vmov s11;
	s7 =	simm.s32 $0x1;
	[dreg:$0x8] =	wrdreg s25;
	s25 =	simm.s32 $0x10C80  }
.LBB2_1:
0x18: {  	s10 =	rddreg [dreg:$0x5]  }
0x19: {  	[tilespmem:s19], [sflag:$0x3] =	stream.linear.gather [hbm4b:s10+s2], $0x40, $0x38;
	[tilespmem:$0x114C0] =	vst v63  }
0x1a: {  	_ =	swait.ge [sflag:s20], $0x40  }
0x1b: {  	[sflag:s20] =	ssyncset.done $0x0  }
0x1c: {  	v5 =	vor.u32 s2, v1;
	s11 =	rddreg [dreg:$0x6];
	[sflag:s20] =	ssyncadd.s32 $0xFFFFFFC0  }
0x1d: {  	v2 =	vmul.u32 $0x924A, v5;
	[tilespmem:s21], [sflag:$0x3] =	stream.linear.gather [hbm4b:s11+s2], $0x40, $0x38;
	[tilespmem:$0x114C0] =	vst v63  }
0x1e: {  	_ =	swait.ge [sflag:s20], $0x40  }
0x1f: {  	v6 =	vshrl.u32 v2, $0x15;
	[sflag:s20] =	ssyncset.done $0x0  }
0x20: {  	v2 =	vmul.u32 $0xFFFFFFFA, v6;
	s11 =	rddreg [dreg:$0x7];
	[sflag:s20] =	ssyncadd.s32 $0xFFFFFFC0  }
0x21: {  	[tilespmem:s22], [sflag:$0x3] =	stream.linear.gather [hbm4b:s11+s2], $0x40, $0x38;
	[tilespmem:$0x114C0] =	vst v63  }
0x22: {  	v3 =	vadd.s32 v5, v2;
	s11 =	simm.s32 $0x10  }
0x23: {  	v2 =	vmul.u32 $0xA3D8, v3;
	_ =	swait.ge [sflag:s20], $0x40;
	v13 =	vor.u32 s11, v1  }
0x24: {  	[sflag:s20] =	ssyncset.done $0x0;
	v4 =	vmul.u32 $0x924A, v13  }
0x25: {  	v7 =	vshrl.u32 v2, $0x15;
	s11 =	rddreg [dreg:$0x2];
	[sflag:s20] =	ssyncadd.s32 $0xFFFFFFC0  }
0x26: {  	v8 =	vmul.u32 $0xFFFFFFCE, v7;
	[tilespmem:s24], [sflag:$0x2] =	stream.indirect.gather [hbm4b:s11+s23], $0x40, s19, s23, $0xb8;
	v9 =	vshrl.u32 v4, $0x15;
	[tilespmem:$0x114C0] =	vst v63  }
0x27: {  	s10 =	simm.s32 $0x20;
	s11 =	rddreg [dreg:$0x3];
	v4 =	vmul.u32 $0xFFFFFFFA, v9  }
0x28: {  	v2 =	vor.u32 s10, v1;
	v7 =	vmul.u32 $0x38, v7;
	v3 =	vadd.s32 v3, v8;
	[tilespmem:s25], [sflag:$0x2] =	stream.indirect.gather [hbm4b:s11+s23], $0x10, s21, s23, $0xb8;
	[tilespmem:$0x114C0] =	vst v63  }
0x29: {  	v10 =	vand.u32 $0xFFFFFFF8, v3;
	v3 =	vand.u32 $0x7, v3;
	s11 =	rddreg [dreg:$0x4];
	v8 =	vadd.s32 v13, v4  }
0x2a: {  	v7 =	vadd.s32 v7, v10;
	v4 =	vmul.u32 $0x924A, v2;
	[tilespmem:s26], [sflag:$0x2] =	stream.indirect.gather [hbm4b:s11+s23], $0x10, s22, s23, $0xb8;
	v11 =	vmul.u32 $0xA3D8, v8;
	[tilespmem:$0x114C0] =	vst v63  }
0x2b: {  	v7 =	vor.u32 v3, v7;
	s11 =	rddreg [dreg:$0x8]  }
0x2c: {  	v4 =	vshrl.u32 v4, $0x15;
	[tilespmem:s2], [sflag:$0x3] =	stream.linear.gather [hbm4b:s11+s2], $0xE00, $0x38;
	v10 =	vshrl.u32 v11, $0x15;
	[tilespmem:$0x114C0] =	vst v63  }
0x2d: {  	v11 =	vmul.u32 $0xFFFFFFFA, v4;
	v12 =	vmul.u32 $0xFFFFFFCE, v10;
	_ =	swait.ge [sflag:s20], $0xE00  }
0x2e: {  	v15 =	vmul.u32 $0xFFFFFFC8, v6;
	[sflag:s20] =	ssyncset.done $0x0  }
0x2f: {  	v10 =	vmul.u32 $0x38, v10;
	v11 =	vadd.s32 v2, v11;
	v8 =	vadd.s32 v8, v12;
	[sflag:s20] =	ssyncadd.s32 $0xFFFFF200  }
0x30: {  	v6 =	vadd.s32 v0, v6;
	v12 =	vmul.u32 $0xA3D8, v11;
	v14 =	vand.u32 $0xFFFFFFF8, v8;
	v7 =	vld.idx.msk [tilespmem:v7+s2+$0x0], $0xffff  }
0x31: {  	v6 =	vmul.u32 $0x18, v6;
	s11 =	simm.s32 $0x30;
	v8 =	vand.u32 $0x7, v8;
	v10 =	vadd.s32 v10, v14  }
0x32: {  	v3 =	vor.u32 s11, v1;
	v12 =	vshrl.u32 v12, $0x15;
	v10 =	vor.u32 v8, v10  }
0x33: {  	v5 =	vadd.s32 v5, v15;
	v14 =	vmul.u32 $0x924A, v3;
	v16 =	vmul.u32 $0xFFFFFFCE, v12  }
0x34: {  	vm0 =	vgt.s32 v5, $0x31;
	v8 =	vor.u32 $0x1, v6;
	v12 =	vmul.u32 $0x38, v12  }
0x35: {  	v6 =	vshrl.u32 v14, $0x15;
	v11 =	vadd.s32 v11, v16;
	v8 =	vsel vm0, v8, v7  }
0x36: {  	v14 =	vmul.u32 $0xFFFFFFFA, v6;
	v15 =	vand.u32 $0xFFFFFFF8, v11;
	[tilespmem:s29+$0x0] =	vst v8  }
0x37: {  	v63 =	vadd.s32 v0, v9;
	s11 =	simm.s32 $0x40;
	v12 =	vadd.s32 v12, v15;
	v15 =	vmul.u32 $0xFFFFFFC8, v9;
	v9 =	vld.idx.msk [tilespmem:v10+s2+$0x0], $0xffff  }
0x38: {  	v5 =	vor.u32 s11, v1;
	v7 =	vadd.s32 v3, v14;
	v14 =	vand.u32 $0x7, v11  }
0x39: {  	v11 =	vmul.u32 $0xA3D8, v7;
	v8 =	vor.u32 v14, v12;
	v12 =	vmul.u32 $0x18, v63  }
0x3a: {  	s10 =	simm.s32 $0xE00;
	s11 =	simm.s32 $0x50;
	v10 =	vmul.u32 $0x924A, v5;
	v13 =	vadd.s32 v13, v15  }
.LBB2_2:
0x3b: {  	p0 =	sne.s32 s11, $0xDF0;
	v11 =	vshrl.u32 v11, $0x15;
	v12 =	vor.u32 $0x1, v12;
	vm0 =	vgt.s32 v13, $0x31  }
0x3c: {  	s10 =	sadd.s32 $0x10, s10;
	v13 =	vmul.u32 $0xFFFFFFCE, v11;
	v9 =	vsel vm0, v12, v9  }
0x3d: {  	v14 =	vor.u32 s11, v1;
	v10 =	vshrl.u32 v10, $0x15;
	[tilespmem:s10+$0x0] =	vst v9  }
.Ltmp0:
0x3e: {  	v11 =	vmul.u32 $0x38, v11;
	v12 =	vmul.u32 $0xFFFFFFFA, v10;
	v13 =	vadd.s32 v7, v13;
	v9 =	vld.idx.msk [tilespmem:v8+s2+$0x0], $0xffff;
	(pc) =	sbr.rel @p0 .LBB2_2-.Ltmp0, $4  }
0x3f: {  	v15 =	vmul.u32 $0xFFFFFFC8, v4;
	v16 =	vadd.s32 v0, v4;
	v4 =	vmovc v6;
	v6 =	vmovc v10;
	v8 =	vand.u32 $0xFFFFFFF8, v13  }
0x40: {  	v7 =	vadd.s32 v5, v12;
	v10 =	vand.u32 $0x7, v13;
	v8 =	vadd.s32 v11, v8  }
0x41: {  	v12 =	vmul.u32 $0x18, v16;
	v11 =	vmul.u32 $0xA3D8, v7;
	v8 =	vor.u32 v10, v8  }
0x42: {  	s11 =	sadd.s32 $0x10, s11;
	v13 =	vadd.s32 v2, v15;
	v2 =	vmovc v3;
	v3 =	vmovc v5;
	v5 =	vmov v14;
	v10 =	vmul.u32 $0x924A, v14  }
0x43: {  	v11 =	vshrl.u32 v11, $0x15;
	vm0 =	vgt.s32 v13, $0x31  }
0x44: {  	v12 =	vor.u32 $0x1, v12;
	v14 =	vmul.u32 $0xFFFFFFCE, v11;
	v10 =	vshrl.u32 v10, $0x15  }
0x45: {  	s10 =	sadd.s32 $0x10, s10;
	v9 =	vsel vm0, v12, v9;
	v51 =	vmul.u32 $0xFFFFFFFA, v10  }
0x46: {  	v54 =	vmul.u32 $0xFFFFFFC8, v4;
	v52 =	vmul.u32 $0x38, v11;
	[tilespmem:s10+$0x0] =	vst v9;
	v7 =	vadd.s32 v7, v14  }
0x47: {  	v55 =	vadd.s32 v0, v4;
	v8 =	vld.idx.msk [tilespmem:v8+s2+$0x0], $0xffff;
	v53 =	vand.u32 $0xFFFFFFF8, v7;
	v12 =	vadd.s32 v5, v51  }
0x48: {  	v7 =	vand.u32 $0x7, v7;
	v9 =	vadd.s32 v52, v53;
	v56 =	vmul.u32 $0xA3D8, v12  }
0x49: {  	v4 =	vmul.u32 $0x18, v55;
	v7 =	vor.u32 v7, v9  }
0x4a: {  	v2 =	vadd.s32 v2, v54;
	v57 =	vshrl.u32 v56, $0x15  }
0x4b: {  	v4 =	vor.u32 $0x1, v4;
	vm13 =	vgt.s32 v2, $0x31;
	v2 =	vmul.u32 $0xFFFFFFCE, v57  }
0x4c: {  	s10 =	sadd.s32 $0x10, s10;
	v4 =	vsel vm13, v4, v8  }
0x4d: {  	v58 =	vmul.u32 $0x38, v57;
	[tilespmem:s10+$0x0] =	vst v4;
	v2 =	vadd.s32 v12, v2  }
0x4e: {  	v60 =	vmul.u32 $0xFFFFFFC8, v6;
	v7 =	vld.idx.msk [tilespmem:v7+s2+$0x0], $0xffff;
	v59 =	vand.u32 $0xFFFFFFF8, v2  }
0x4f: {  	v61 =	vadd.s32 v0, v6;
	v2 =	vand.u32 $0x7, v2;
	v4 =	vadd.s32 v58, v59  }
0x50: {  	v62 =	vmul.u32 $0x18, v61;
	v2 =	vor.u32 v2, v4  }
0x51: {  	v3 =	vadd.s32 v3, v60  }
0x52: {  	vm14 =	vgt.s32 v3, $0x31;
	v4 =	vor.u32 $0x1, v62  }
0x53: {  	s10 =	sadd.s32 $0x10, s10;
	v3 =	vsel vm14, v4, v7  }
0x54: {  	[tilespmem:s10+$0x0] =	vst v3  }
0x55: {  	v2 =	vld.idx.msk [tilespmem:v2+s2+$0x0], $0xffff  }
0x56: {  	v63 =	vadd.s32 v0, v10;
	v3 =	vmul.u32 $0xFFFFFFC8, v10  }
0x57: {  	v4 =	vmul.u32 $0x18, v63  }
0x58: {  	v3 =	vadd.s32 v5, v3  }
0x59: {  	v4 =	vor.u32 $0x1, v4;
	vm15 =	vgt.s32 v3, $0x31  }
0x5a: {  	s10 =	sadd.s32 $0x10, s10;
	v2 =	vsel vm15, v4, v2  }
0x5b: {  	[tilespmem:s10+$0x0] =	vst v2  }
0x5c: {  	[tilespmem:s30], [sflag:$0x1] =	stream.indirect.gather [hbm4b:s3+s28], $0x40, s29, s28, $0xb8;
	[tilespmem:$0x114C0] =	vst v63  }
0x5d: {  	s11 =	simm.s32 $0xE80  }
0x5e: {  	[tilespmem:s1], [sflag:$0x1] =	stream.indirect.gather [hbm4b:s3+s28], $0x40, s11, s28, $0xb8;
	[tilespmem:$0x114C0] =	vst v63  }
0x5f: {  	s11 =	simm.s32 $0xF00  }
0x60: {  	[tilespmem:s31], [sflag:$0x1] =	stream.indirect.gather [hbm4b:s3+s28], $0x40, s11, s28, $0xb8;
	[tilespmem:$0x114C0] =	vst v63  }
0x61: {  	s11 =	simm.s32 $0xF80  }
0x62: {  	[tilespmem:s0], [sflag:$0x1] =	stream.indirect.gather [hbm4b:s3+s28], $0x40, s11, s28, $0xb8;
	[tilespmem:$0x114C0] =	vst v63  }
0x63: {  	s11 =	simm.s32 $0x1000  }
0x64: {  	[tilespmem:s4], [sflag:$0x1] =	stream.indirect.gather [hbm4b:s3+s28], $0x40, s11, s28, $0xb8;
	[tilespmem:$0x114C0] =	vst v63  }
0x65: {  	s11 =	simm.s32 $0x1080  }
0x66: {  	[tilespmem:s5], [sflag:$0x1] =	stream.indirect.gather [hbm4b:s3+s28], $0x40, s11, s28, $0xb8;
	[tilespmem:$0x114C0] =	vst v63  }
0x67: {  	s11 =	simm.s32 $0x1100  }
0x68: {  	[tilespmem:s6], [sflag:$0x1] =	stream.indirect.gather [hbm4b:s3+s28], $0x40, s11, s28, $0xb8;
	[tilespmem:$0x114C0] =	vst v63  }
0x69: {  	_ =	swait.ge [sflag:s7], $0x2000  }
0x6a: {  	[sflag:s7] =	ssyncset.done $0x0  }
0x6b: {  	[sflag:s7] =	ssyncadd.s32 $0xFFFFE000  }
0x6c: {  	_ =	swait.ge [sflag:s7], $0x2000  }
0x6d: {  	[sflag:s7] =	ssyncset.done $0x0  }
0x6e: {  	[sflag:s7] =	ssyncadd.s32 $0xFFFFE000  }
0x6f: {  	_ =	swait.ge [sflag:s7], $0x2000  }
0x70: {  	[sflag:s7] =	ssyncset.done $0x0  }
0x71: {  	[sflag:s7] =	ssyncadd.s32 $0xFFFFE000  }
0x72: {  	_ =	swait.ge [sflag:s7], $0x2000  }
0x73: {  	[sflag:s7] =	ssyncset.done $0x0  }
0x74: {  	[sflag:s7] =	ssyncadd.s32 $0xFFFFE000  }
0x75: {  	_ =	swait.ge [sflag:s7], $0x2000  }
0x76: {  	[sflag:s7] =	ssyncset.done $0x0  }
0x77: {  	[sflag:s7] =	ssyncadd.s32 $0xFFFFE000  }
0x78: {  	_ =	swait.ge [sflag:s7], $0x2000  }
0x79: {  	[sflag:s7] =	ssyncset.done $0x0  }
0x7a: {  	[sflag:s7] =	ssyncadd.s32 $0xFFFFE000  }
0x7b: {  	_ =	swait.ge [sflag:s7], $0x2000  }
0x7c: {  	[sflag:s7] =	ssyncset.done $0x0  }
0x7d: {  	[sflag:s7] =	ssyncadd.s32 $0xFFFFE000  }
0x7e: {  	[hbm4b:s15+s2] =	stream.linear.scatter [tilespmem:s30], [sflag:$0x3], $0xE000, $0x38;
	[tilespmem:$0x114C0] =	vst v63  }
0x7f: {  	_ =	swait.ge [sflag:s20], $0xE000  }
0x80: {  	[sflag:s20] =	ssyncset.done $0x0  }
0x81: {  	s11 =	simm.s32 $0x1180;
	[sflag:s20] =	ssyncadd.s32 $0xFFFF2000  }
0x82: {  	[tilespmem:s30], [sflag:$0x1] =	stream.indirect.gather [hbm4b:s3+s28], $0x40, s11, s28, $0xb8;
	[tilespmem:$0x114C0] =	vst v63  }
0x83: {  	s11 =	simm.s32 $0x1200  }
0x84: {  	[tilespmem:s1], [sflag:$0x1] =	stream.indirect.gather [hbm4b:s3+s28], $0x40, s11, s28, $0xb8;
	[tilespmem:$0x114C0] =	vst v63  }
0x85: {  	s11 =	simm.s32 $0x1280  }
0x86: {  	[tilespmem:s31], [sflag:$0x1] =	stream.indirect.gather [hbm4b:s3+s28], $0x40, s11, s28, $0xb8;
	[tilespmem:$0x114C0] =	vst v63  }
0x87: {  	s11 =	simm.s32 $0x1300  }
0x88: {  	[tilespmem:s0], [sflag:$0x1] =	stream.indirect.gather [hbm4b:s3+s28], $0x40, s11, s28, $0xb8;
	[tilespmem:$0x114C0] =	vst v63  }
0x89: {  	s11 =	simm.s32 $0x1380  }
0x8a: {  	[tilespmem:s4], [sflag:$0x1] =	stream.indirect.gather [hbm4b:s3+s28], $0x40, s11, s28, $0xb8;
	[tilespmem:$0x114C0] =	vst v63  }
0x8b: {  	s11 =	simm.s32 $0x1400  }
0x8c: {  	[tilespmem:s5], [sflag:$0x1] =	stream.indirect.gather [hbm4b:s3+s28], $0x40, s11, s28, $0xb8;
	[tilespmem:$0x114C0] =	vst v63  }
0x8d: {  	s11 =	simm.s32 $0x1480  }
0x8e: {  	[tilespmem:s6], [sflag:$0x1] =	stream.indirect.gather [hbm4b:s3+s28], $0x40, s11, s28, $0xb8;
	[tilespmem:$0x114C0] =	vst v63  }
0x8f: {  	_ =	swait.ge [sflag:s7], $0x2000  }
0x90: {  	[sflag:s7] =	ssyncset.done $0x0  }
0x91: {  	[sflag:s7] =	ssyncadd.s32 $0xFFFFE000  }
0x92: {  	_ =	swait.ge [sflag:s7], $0x2000  }
0x93: {  	[sflag:s7] =	ssyncset.done $0x0  }
0x94: {  	[sflag:s7] =	ssyncadd.s32 $0xFFFFE000  }
0x95: {  	_ =	swait.ge [sflag:s7], $0x2000  }
0x96: {  	[sflag:s7] =	ssyncset.done $0x0  }
0x97: {  	[sflag:s7] =	ssyncadd.s32 $0xFFFFE000  }
0x98: {  	_ =	swait.ge [sflag:s7], $0x2000  }
0x99: {  	[sflag:s7] =	ssyncset.done $0x0  }
0x9a: {  	[sflag:s7] =	ssyncadd.s32 $0xFFFFE000  }
0x9b: {  	_ =	swait.ge [sflag:s7], $0x2000  }
0x9c: {  	[sflag:s7] =	ssyncset.done $0x0  }
0x9d: {  	[sflag:s7] =	ssyncadd.s32 $0xFFFFE000  }
0x9e: {  	_ =	swait.ge [sflag:s7], $0x2000  }
0x9f: {  	[sflag:s7] =	ssyncset.done $0x0  }
0xa0: {  	[sflag:s7] =	ssyncadd.s32 $0xFFFFE000  }
0xa1: {  	_ =	swait.ge [sflag:s7], $0x2000  }
0xa2: {  	[sflag:s7] =	ssyncset.done $0x0  }
0xa3: {  	[sflag:s7] =	ssyncadd.s32 $0xFFFFE000  }
0xa4: {  	[hbm4b:s16+s2] =	stream.linear.scatter [tilespmem:s30], [sflag:$0x3], $0xE000, $0x38;
	[tilespmem:$0x114C0] =	vst v63  }
0xa5: {  	_ =	swait.ge [sflag:s20], $0xE000  }
0xa6: {  	[sflag:s20] =	ssyncset.done $0x0  }
0xa7: {  	s11 =	simm.s32 $0x1500;
	[sflag:s20] =	ssyncadd.s32 $0xFFFF2000  }
0xa8: {  	[tilespmem:s30], [sflag:$0x1] =	stream.indirect.gather [hbm4b:s3+s28], $0x40, s11, s28, $0xb8;
	[tilespmem:$0x114C0] =	vst v63  }
0xa9: {  	s11 =	simm.s32 $0x1580  }
0xaa: {  	[tilespmem:s1], [sflag:$0x1] =	stream.indirect.gather [hbm4b:s3+s28], $0x40, s11, s28, $0xb8;
	[tilespmem:$0x114C0] =	vst v63  }
0xab: {  	s11 =	simm.s32 $0x1600  }
0xac: {  	[tilespmem:s31], [sflag:$0x1] =	stream.indirect.gather [hbm4b:s3+s28], $0x40, s11, s28, $0xb8;
	[tilespmem:$0x114C0] =	vst v63  }
0xad: {  	s11 =	simm.s32 $0x1680  }
0xae: {  	[tilespmem:s0], [sflag:$0x1] =	stream.indirect.gather [hbm4b:s3+s28], $0x40, s11, s28, $0xb8;
	[tilespmem:$0x114C0] =	vst v63  }
0xaf: {  	s11 =	simm.s32 $0x1700  }
0xb0: {  	[tilespmem:s4], [sflag:$0x1] =	stream.indirect.gather [hbm4b:s3+s28], $0x40, s11, s28, $0xb8;
	[tilespmem:$0x114C0] =	vst v63  }
0xb1: {  	s11 =	simm.s32 $0x1780  }
0xb2: {  	[tilespmem:s5], [sflag:$0x1] =	stream.indirect.gather [hbm4b:s3+s28], $0x40, s11, s28, $0xb8;
	[tilespmem:$0x114C0] =	vst v63  }
0xb3: {  	s11 =	simm.s32 $0x1800  }
0xb4: {  	[tilespmem:s6], [sflag:$0x1] =	stream.indirect.gather [hbm4b:s3+s28], $0x40, s11, s28, $0xb8;
	[tilespmem:$0x114C0] =	vst v63  }
0xb5: {  	_ =	swait.ge [sflag:s7], $0x2000  }
0xb6: {  	[sflag:s7] =	ssyncset.done $0x0  }
0xb7: {  	[sflag:s7] =	ssyncadd.s32 $0xFFFFE000  }
0xb8: {  	_ =	swait.ge [sflag:s7], $0x2000  }
0xb9: {  	[sflag:s7] =	ssyncset.done $0x0  }
0xba: {  	[sflag:s7] =	ssyncadd.s32 $0xFFFFE000  }
0xbb: {  	_ =	swait.ge [sflag:s7], $0x2000  }
0xbc: {  	[sflag:s7] =	ssyncset.done $0x0  }
0xbd: {  	[sflag:s7] =	ssyncadd.s32 $0xFFFFE000  }
0xbe: {  	_ =	swait.ge [sflag:s7], $0x2000  }
0xbf: {  	[sflag:s7] =	ssyncset.done $0x0  }
0xc0: {  	[sflag:s7] =	ssyncadd.s32 $0xFFFFE000  }
0xc1: {  	_ =	swait.ge [sflag:s7], $0x2000  }
0xc2: {  	[sflag:s7] =	ssyncset.done $0x0  }
0xc3: {  	[sflag:s7] =	ssyncadd.s32 $0xFFFFE000  }
0xc4: {  	_ =	swait.ge [sflag:s7], $0x2000  }
0xc5: {  	[sflag:s7] =	ssyncset.done $0x0  }
0xc6: {  	[sflag:s7] =	ssyncadd.s32 $0xFFFFE000  }
0xc7: {  	_ =	swait.ge [sflag:s7], $0x2000  }
0xc8: {  	[sflag:s7] =	ssyncset.done $0x0  }
0xc9: {  	[sflag:s7] =	ssyncadd.s32 $0xFFFFE000  }
0xca: {  	[hbm4b:s17+s2] =	stream.linear.scatter [tilespmem:s30], [sflag:$0x3], $0xE000, $0x38;
	[tilespmem:$0x114C0] =	vst v63  }
0xcb: {  	_ =	swait.ge [sflag:s20], $0xE000  }
0xcc: {  	[sflag:s20] =	ssyncset.done $0x0  }
0xcd: {  	s11 =	simm.s32 $0x1880;
	[sflag:s20] =	ssyncadd.s32 $0xFFFF2000  }
0xce: {  	[tilespmem:s30], [sflag:$0x1] =	stream.indirect.gather [hbm4b:s3+s28], $0x40, s11, s28, $0xb8;
	[tilespmem:$0x114C0] =	vst v63  }
0xcf: {  	s11 =	simm.s32 $0x1900  }
0xd0: {  	[tilespmem:s1], [sflag:$0x1] =	stream.indirect.gather [hbm4b:s3+s28], $0x40, s11, s28, $0xb8;
	[tilespmem:$0x114C0] =	vst v63  }
0xd1: {  	s11 =	simm.s32 $0x1980  }
0xd2: {  	[tilespmem:s31], [sflag:$0x1] =	stream.indirect.gather [hbm4b:s3+s28], $0x40, s11, s28, $0xb8;
	[tilespmem:$0x114C0] =	vst v63  }
0xd3: {  	s11 =	simm.s32 $0x1A00  }
0xd4: {  	[tilespmem:s0], [sflag:$0x1] =	stream.indirect.gather [hbm4b:s3+s28], $0x40, s11, s28, $0xb8;
	[tilespmem:$0x114C0] =	vst v63  }
0xd5: {  	s11 =	simm.s32 $0x1A80  }
0xd6: {  	[tilespmem:s4], [sflag:$0x1] =	stream.indirect.gather [hbm4b:s3+s28], $0x40, s11, s28, $0xb8;
	[tilespmem:$0x114C0] =	vst v63  }
0xd7: {  	s11 =	simm.s32 $0x1B00  }
0xd8: {  	[tilespmem:s5], [sflag:$0x1] =	stream.indirect.gather [hbm4b:s3+s28], $0x40, s11, s28, $0xb8;
	[tilespmem:$0x114C0] =	vst v63  }
0xd9: {  	s11 =	simm.s32 $0x1B80  }
0xda: {  	[tilespmem:s6], [sflag:$0x1] =	stream.indirect.gather [hbm4b:s3+s28], $0x40, s11, s28, $0xb8;
	[tilespmem:$0x114C0] =	vst v63  }
0xdb: {  	_ =	swait.ge [sflag:s7], $0x2000  }
0xdc: {  	[sflag:s7] =	ssyncset.done $0x0  }
0xdd: {  	[sflag:s7] =	ssyncadd.s32 $0xFFFFE000  }
0xde: {  	_ =	swait.ge [sflag:s7], $0x2000  }
0xdf: {  	[sflag:s7] =	ssyncset.done $0x0  }
0xe0: {  	[sflag:s7] =	ssyncadd.s32 $0xFFFFE000  }
0xe1: {  	_ =	swait.ge [sflag:s7], $0x2000  }
0xe2: {  	[sflag:s7] =	ssyncset.done $0x0  }
0xe3: {  	[sflag:s7] =	ssyncadd.s32 $0xFFFFE000  }
0xe4: {  	_ =	swait.ge [sflag:s7], $0x2000  }
0xe5: {  	[sflag:s7] =	ssyncset.done $0x0  }
0xe6: {  	[sflag:s7] =	ssyncadd.s32 $0xFFFFE000  }
0xe7: {  	_ =	swait.ge [sflag:s7], $0x2000  }
0xe8: {  	[sflag:s7] =	ssyncset.done $0x0  }
0xe9: {  	[sflag:s7] =	ssyncadd.s32 $0xFFFFE000  }
0xea: {  	_ =	swait.ge [sflag:s7], $0x2000  }
0xeb: {  	[sflag:s7] =	ssyncset.done $0x0  }
0xec: {  	[sflag:s7] =	ssyncadd.s32 $0xFFFFE000  }
0xed: {  	_ =	swait.ge [sflag:s7], $0x2000  }
0xee: {  	[sflag:s7] =	ssyncset.done $0x0  }
0xef: {  	[sflag:s7] =	ssyncadd.s32 $0xFFFFE000  }
0xf0: {  	[hbm4b:s18+s2] =	stream.linear.scatter [tilespmem:s30], [sflag:$0x3], $0xE000, $0x38;
	[tilespmem:$0x114C0] =	vst v63  }
0xf1: {  	_ =	swait.ge [sflag:s20], $0xE000  }
0xf2: {  	[sflag:s20] =	ssyncset.done $0x0  }
0xf3: {  	[sflag:s20] =	ssyncadd.s32 $0xFFFF2000  }
0xf4: {  	_ =	swait.ge [sflag:s8], $0x1000  }
0xf5: {  	[sflag:s8] =	ssyncset.done $0x0  }
0xf6: {  	[sflag:s8] =	ssyncadd.s32 $0xFFFFF000  }
0xf7: {  	_ =	swait.ge [sflag:s8], $0x400  }
0xf8: {  	[sflag:s8] =	ssyncset.done $0x0  }
0xf9: {  	[sflag:s8] =	ssyncadd.s32 $0xFFFFFC00  }
0xfa: {  	_ =	swait.ge [sflag:s8], $0x400  }
0xfb: {  	[sflag:s8] =	ssyncset.done $0x0  }
0xfc: {  	s11 =	rddreg [dreg:$0x9];
	[sflag:s8] =	ssyncadd.s32 $0xFFFFFC00  }
0xfd: {  	[hbm4b:s11+s2] =	stream.linear.scatter [tilespmem:s24], [sflag:$0x3], $0x1000, $0x38;
	[tilespmem:$0x114C0] =	vst v63  }
0xfe: {  	_ =	swait.ge [sflag:s20], $0x1000  }
0xff: {  	[sflag:s20] =	ssyncset.done $0x0  }
0x100: {  	[sflag:s20] =	ssyncadd.s32 $0xFFFFF000  }
0x101: {  	[hbm4b:s12+s2] =	stream.linear.scatter [tilespmem:s25], [sflag:$0x3], $0x400, $0x38;
	[tilespmem:$0x114C0] =	vst v63  }
0x102: {  	s9 =	sadd.s32 $0x1, s9;
	_ =	swait.ge [sflag:s20], $0x400  }
0x103: {  	p0 =	sne.s32 s9, s14;
	[sflag:s20] =	ssyncset.done $0x0  }
.Ltmp1:
0x104: {  	[sflag:s20] =	ssyncadd.s32 $0xFFFFFC00;
	(pc) =	sbr.rel @p0 .LBB2_1-.Ltmp1, $4  }
0x105: {  	[hbm4b:s13+s2] =	stream.linear.scatter [tilespmem:s26], [sflag:$0x3], $0x400, $0x38;
	[tilespmem:$0x114C0] =	vst v63  }
0x106: {  	_ =	swait.ge [sflag:s20], $0x400  }
0x107: {  	[sflag:s20] =	ssyncset.done $0x0  }
0x108: {  	[sflag:s20] =	ssyncadd.s32 $0xFFFFFC00  }
0x109: {  	_ =	sfence.sel $0x180000  }
0x10a: {  	[bflag:$0x0] =	sbarrier.arrive $0xFFFF  }
0x10b: {  	_ =	strace $0x90000047  }
0x10c: {  	s0 =	stileid.u32;
	[bflag:$0x2] =	sbarrier.arrive $0xFFFF  }
0x10d: {  	p0 =	sne.s32 s0, $0x0;
	s0 =	rddreg [dreg:$0x1]  }
0x10e: {  	s0 =	sadd.s32 @!p0 $0x100000, s0  }
0x10f: {  	[sflag:s0] =	ssyncadd.tile.s32 @!p0 $0x1;
	_ =	shalt  }
.Lfunc_end2:
_tile_overlayer_lowered:
.L_overlay_start_2:
0x110: {  	(tag) =	ssettag $0x2  }
0x111: {  	s0 =	rddreg [dreg:$0x0];
	s2 =	stileid.u32  }
0x112: {  	s1 =	rddreg [dreg:$0x1];
	p0 =	sne.s32 s2, $0x0  }
0x113: {  	s3 =	rddreg [dreg:$0x2];
	[bflag:$0x3] =	sbarrier.arrive $0xFFFF;
	s2 =	simm.s32 @!p0 $0x1C03  }
0x114: {  	[timem:s3], [sflag:s2] =	dma.local @!p0 [hbm:s0], s1  }
0x115: {  	s0 =	simm.s32 @!p0 $0x3  }
0x116: {  	_ =	swait.ge @!p0 [sflag:s0], s1  }
0x117: {  	s1 =	ssub.s32 @!p0 $0x0, s1;
	[sflag:s0] =	ssyncset.done @!p0 $0x0  }
0x118: {  	[sflag:s0] =	ssyncadd.s32 @!p0 s1  }
0x119: {  	[bflag:$0x3] =	sbarrier.arrive $0xFFFF  }
0x11a: {  	_ =	shalt  }

// kernel: kernel.9.cloned.1.call-start
scs
__scs_entry_jumppad:
0x0: {  	(pc) =	sbr.rel $0x88, $3  }
0x1: {  	(tag) =	ssettag $0x0;
	lr =	simm.s32 $0x1  }
0x2: {  	[smem:$0x3F8F] =	sst lr;
	_ =	strace $0xD0000000  }
0x3: {  	_ = 	snop  }
0x4: {  	_ = 	snop  }
0x5: {  	_ = 	snop  }
0x6: {  	_ = 	snop  }
0x7: {  	_ = 	snop  }
__scs_overlays_trampoline_lowered:
0x8: {  	[smem:$0x3F9E] =	sst s0  }
0x9: {  	[smem:$0x3F9F] =	sst s1  }
0xa: {  	[smem:$0x3FA0] =	sst s2  }
0xb: {  	[smem:$0x3FA1] =	sst s3  }
0xc: {  	[smem:$0x3FA2] =	sst s4  }
0xd: {  	[smem:$0x3FA3] =	sst s5  }
0xe: {  	[smem:$0x3FA4] =	sst s6  }
0xf: {  	[smem:$0x3FA5] =	sst s7  }
0x10: {  	[smem:$0x3FA6] =	sst s8  }
0x11: {  	[smem:$0x3FA7] =	sst s9;
	s0 =	simm.s32 @!p0 $0x0  }
0x12: {  	s1 =	sld [smem:$0x3F8D];
	s0 =	simm.s32 @p0 $0x1  }
0x13: {  	[smem:$0x3FA8] =	sst s0;
	s0 =	simm.s32 @!p1 $0x0  }
0x14: {  	s2 =	sld [smem:$0x3F8C];
	s0 =	simm.s32 @p1 $0x1  }
0x15: {  	[smem:$0x3FA9] =	sst s0;
	s0 =	simm.s32 @!p2 $0x0  }
0x16: {  	s3 =	sld [smem:$0x3FDB];
	s0 =	simm.s32 @p2 $0x1  }
0x17: {  	s4 =	simm.s32 $0x1BF5;
	[smem:$0x3FAB] =	sst s0  }
0x18: {  	s0 =	sld [smem:$0x3F8E];
	_ =	swait.ge [sflag:s4], $0x0  }
0x19: {  	s7 =	sld [smem:$0x3F8F]  }
0x1a: {  	s8 =	sadd.s32 $0xFFFFE003, lr  }
0x1b: {  	s9 =	sadd.s32 $0xFFFFFEF7, lr;
	s5 =	simm.s32 $0xFFFFFFFF;
	p2 =	slt.u32 s8, $0xFFFFF086  }
0x1c: {  	p1 =	slt.u32 s9, $0xF7A;
	s5 =	simm.s32 @!p2 $0x0  }
0x1d: {  	s5 =	simm.s32 @p1 $0x1;
	p0 =	seq.s32 s7, s2  }
0x1e: {  	s7 =	smul.u32 @!p0 $0xF7A, s2;
	p2 =	seq.s32 @!p0 s5, $0x0  }
0x1f: {  	s9 =	smul.u32 $0xF7A, s1;
	s8 =	simm.s32 @!p0 $0x1BF5;
	p2 =	por !p2, p0  }
0x20: {  	[sflag:s8] =	ssyncset.s32 @!p0 $0xFFFFF086;
	s6 =	sadd.s32 @!p0 s3, s7;
	s7 =	simm.s32 @!p0 $0x108  }
0x21: {  	s3 =	sadd.s32 s3, s9;
	s6 =	sadd.s32 @!p0 $0x88, s6;
	s7 =	simm.s32 @p2 $0x1082  }
0x22: {  	[simem:s7], [sflag:s8] =	dma.local @!p0 [hbm:s6], $0xF7A  }
0x23: {  	s9 =	sor.u32 $0xD0000000, s2;
	s6 =	simm.s32 $0x108;
	_ =	swait.ge @!p0 [sflag:s8], $0x0  }
0x24: {  	s3 =	sadd.s32 $0x88, s3;
	s6 =	simm.s32 @!p1 $0x1082;
	[sflag:s4] =	ssyncset.s32 $0xFFFFF086  }
0x25: {  	[simem:s6], [sflag:s4] =	dma.local [hbm:s3], $0xF7A  }
0x26: {  	[smem:$0x3F8F] =	sst s1;
	(tag) =	ssettag s2;
	_ =	strace s9  }
0x27: {  	s1 =	sld [smem:$0x3F9F]  }
0x28: {  	s2 =	sld [smem:$0x3FA0]  }
0x29: {  	s4 =	sld [smem:$0x3FA2]  }
0x2a: {  	p0 =	seq.s32 s5, $0x0;
	s5 =	sld [smem:$0x3FA3]  }
0x2b: {  	s6 =	sld [smem:$0x3FA4]  }
0x2c: {  	s7 =	sld [smem:$0x3FA5]  }
0x2d: {  	s3 =	simm.s32 $0x108;
	s8 =	sld [smem:$0x3FA6]  }
0x2e: {  	s3 =	simm.s32 @!p0 $0x1082;
	s9 =	sld [smem:$0x3FA7]  }
0x2f: {  	lr =	sadd.s32 s0, s3;
	s0 =	sld [smem:$0x3F9E]  }
0x30: {  	s3 =	sld [smem:$0x3FA1]  }
0x31: {  	[smem:$0x3FAA] =	sst s10  }
0x32: {  	s10 =	sld [smem:$0x3FA8];
	_ =	sdelay $0x3  }
0x33: {  	p0 =	seq.s32 s10, $0x1;
	s10 =	sld [smem:$0x3FAA];
	_ =	sdelay $0x3  }
0x34: {  	[smem:$0x3FAA] =	sst s10  }
0x35: {  	s10 =	sld [smem:$0x3FA9];
	_ =	sdelay $0x3  }
0x36: {  	p1 =	seq.s32 s10, $0x1;
	s10 =	sld [smem:$0x3FAA];
	_ =	sdelay $0x3  }
0x37: {  	[smem:$0x3FAA] =	sst s10  }
0x38: {  	s10 =	sld [smem:$0x3FAB]  }
0x39: {  	_ = 	snop;
	(pc) =	sbr.ind lr, $3  }
0x3a: {  	_ = 	snop  }
0x3b: {  	_ = 	snop  }
0x3c: {  	p2 =	seq.s32 s10, $0x1;
	s10 =	sld [smem:$0x3FAA]  }
0x3d: {  	_ =	shalt  }
0x3e: {  	_ =	shalt  }
0x3f: {  	_ =	shalt  }
0x40: {  	_ =	shalt  }
0x41: {  	_ =	shalt  }
0x42: {  	_ =	shalt  }
0x43: {  	_ =	shalt  }
0x44: {  	_ =	shalt  }
0x45: {  	_ =	shalt  }
0x46: {  	_ =	shalt  }
0x47: {  	_ =	shalt  }
0x48: {  	_ =	shalt  }
0x49: {  	_ =	shalt  }
0x4a: {  	_ =	shalt  }
0x4b: {  	_ =	shalt  }
0x4c: {  	_ =	shalt  }
0x4d: {  	_ =	shalt  }
0x4e: {  	_ =	shalt  }
0x4f: {  	_ =	shalt  }
0x50: {  	_ =	shalt  }
0x51: {  	_ =	shalt  }
0x52: {  	_ =	shalt  }
0x53: {  	_ =	shalt  }
0x54: {  	_ =	shalt  }
0x55: {  	_ =	shalt  }
0x56: {  	_ =	shalt  }
0x57: {  	_ =	shalt  }
0x58: {  	_ =	shalt  }
0x59: {  	_ =	shalt  }
0x5a: {  	_ =	shalt  }
0x5b: {  	_ =	shalt  }
0x5c: {  	_ =	shalt  }
0x5d: {  	_ =	shalt  }
0x5e: {  	_ =	shalt  }
0x5f: {  	_ =	shalt  }
0x60: {  	_ =	shalt  }
0x61: {  	_ =	shalt  }
0x62: {  	_ =	shalt  }
0x63: {  	_ =	shalt  }
0x64: {  	_ =	shalt  }
0x65: {  	_ =	shalt  }
0x66: {  	_ =	shalt  }
0x67: {  	_ =	shalt  }
0x68: {  	_ =	shalt  }
0x69: {  	_ =	shalt  }
0x6a: {  	_ =	shalt  }
0x6b: {  	_ =	shalt  }
0x6c: {  	_ =	shalt  }
0x6d: {  	_ =	shalt  }
0x6e: {  	_ =	shalt  }
0x6f: {  	_ =	shalt  }
0x70: {  	_ =	shalt  }
0x71: {  	_ =	shalt  }
0x72: {  	_ =	shalt  }
0x73: {  	_ =	shalt  }
0x74: {  	_ =	shalt  }
0x75: {  	_ =	shalt  }
0x76: {  	_ =	shalt  }
0x77: {  	_ =	shalt  }
0x78: {  	_ =	shalt  }
0x79: {  	_ =	shalt  }
0x7a: {  	_ =	shalt  }
0x7b: {  	_ =	shalt  }
0x7c: {  	_ =	shalt  }
0x7d: {  	_ =	shalt  }
0x7e: {  	_ =	shalt  }
0x7f: {  	_ =	shalt  }
0x80: {  	_ =	shalt  }
0x81: {  	_ =	shalt  }
0x82: {  	_ =	shalt  }
0x83: {  	_ =	shalt  }
0x84: {  	_ =	shalt  }
0x85: {  	_ =	shalt  }
0x86: {  	_ =	shalt  }
0x87: {  	_ =	shalt  }
.Lfunc_end0:
.L_simem_size_0:
called_computation.1_lowered:
.L_overlay_start_0:
0x88: {  	s2 =	sld [smem:$0x3FD9]  }
0x89: {  	s3 =	sld [smem:$0x3FFE];
	_ =	sdelay $0x1  }
0x8a: {  	s1 =	srdreg.scid  }
0x8b: {  	s0 =	sand.u32 $0x1, s1  }
0x8c: {  	s17 =	sshll.u32 s0, $0xA;
	s2 =	sadd.s32 s3, s2  }
0x8d: {  	s2 =	sadd.s32 s2, s17  }
0x8e: {  	[smem:$0x3FB6] =	sst s2  }
0x8f: {  	_ = 	snop  }
0x90: {  	(tm) =	ssettm $0x1  }
0x91: {  	s18 =	sld [smem:$0x3FFB];
	_ =	sdelay $0x3  }
0x92: {  	_ =	strace s18  }
0x93: {  	s2 =	sld [smem:$0x3FFC];
	_ =	sdelay $0x3  }
0x94: {  	_ =	strace s2  }
0x95: {  	s2 =	sld [smem:$0x3FFD];
	_ =	sdelay $0x3  }
0x96: {  	_ =	strace s2  }
0x97: {  	_ =	strace $0x8FFFFFFF  }
0x98: {  	s19 =	sld [smem:$0x3FDB];
	_ =	sdelay $0x1  }
0x99: {  	s20 =	simm.s32 $_scs_section_size  }
0x9a: {  	s4 =	simm.s32 $_size__tile_overlayer_lowered;
	s5 =	simm.s32 $_tile_overlayer_lowered  }
0x9b: {  	s6 =	simm.s32 $0x1BFF;
	s21 =	sshll.u32 s5, $0x1;
	s3 =	sadd.s32 s20, s19  }
0x9c: {  	s22 =	simm.s32 $0x0;
	s4 =	sshll.u32 s4, $0x1;
	s5 =	sadd.s32 s21, s3  }
0x9d: {  	[timem:s22], [sflag:s6] =	dma.local [hbm:s5], s4  }
0x9e: {  	_ =	swait.ge [sflag:s6], s4  }
0x9f: {  	s4 =	ssub.s32 $0x0, s4;
	[sflag:s6] =	ssyncset.done $0x0  }
0xa0: {  	[sflag:s6] =	ssyncadd.s32 s4;
	_ =	sdelay $0x1  }
0xa1: {  	s23 =	simm.s32 $0x1B8B  }
0xa2: {  	_ =	swait.ge [sflag:s23], $0x1  }
0xa3: {  	[sflag:s23] =	ssyncset.done $0x0  }
0xa4: {  	[sflag:s23] =	ssyncadd.s32 $0xFFFFFFFF  }
0xa5: {  	s4 =	sld [smem:$0x0]  }
0xa6: {  	s5 =	sand.u32 $0xFFFFFFFE, s1  }
0xa7: {  	p0 =	sne.s32 s1, s5  }
0xa8: {  	s5 =	sshll.u32 @p0 s5, $0xE  }
0xa9: {  	s5 =	sadd.s32 @p0 $0x11B8D, s5;
	s6 =	sshll.u32 @p0 s4, $0x11  }
0xaa: {  	s5 =	sor.u32 @p0 s6, s5  }
0xab: {  	[sflag:s5] =	ssyncadd.remote.s32 @p0 $0x1;
	_ =	sdelay $0x1  }
0xac: {  	s5 =	simm.s32 @p0 $0x1B8D  }
0xad: {  	_ =	swait.eq @p0 [sflag:s5], $0x1  }
0xae: {  	[sflag:s5] =	ssyncadd.s32 @p0 $0xFFFFFFFF  }
0xaf: {  	s6 =	sshll.u32 @!p0 s1, $0xE  }
0xb0: {  	s6 =	sor.u32 @!p0 $0x4000, s6;
	s5 =	simm.s32 @!p0 $0x1B8D  }
0xb1: {  	s4 =	sshll.u32 @!p0 s4, $0x11;
	s6 =	sadd.s32 @!p0 $0x11B8D, s6;
	_ =	swait.eq @!p0 [sflag:s5], $0x1  }
0xb2: {  	s4 =	sor.u32 @!p0 s4, s6;
	[sflag:s5] =	ssyncadd.s32 @!p0 $0xFFFFFFFF  }
0xb3: {  	s25 =	simm.s32 $0x1B8E;
	s24 =	sld [smem:$0x3FFE];
	[sflag:s4] =	ssyncadd.remote.s32 @!p0 $0x1  }
0xb4: {  	s26 =	simm.s32 $execute0_lowered;
	[smem:$0x3FD2] =	sst s25  }
0xb5: {  	s5 =	sshll.u32 s26, $0x1;
	_ =	strace $0x80000049;
	[dreg:$0x1] =	wrdreg $0xFFFFFFFF  }
0xb6: {  	s28 =	simm.s32 $_size_execute0_lowered;
	s3 =	sadd.s32 s3, s5;
	[dreg:$0x0] =	wrdreg $0x0  }
0xb7: {  	s5 =	sshll.u32 s28, $0x1;
	[dreg:$0x2] =	wrdreg s3  }
0xb8: {  	[dreg:$0x3] =	wrdreg s5  }
0xb9: {  	[dreg:$0x4] =	wrdreg $0xC0  }
0xba: {  	_ =	task [dreg:s22], $0x5FFFF  }
0xbb: {  	[dreg:$0x1] =	wrdreg $0xFFFFFFFF  }
0xbc: {  	[dreg:$0x0] =	wrdreg $0x60  }
0xbd: {  	[dreg:$0x2] =	wrdreg s24  }
0xbe: {  	[dreg:$0x3] =	wrdreg $0xA  }
0xbf: {  	_ =	task.clear_ibuf [dreg:s22], $0x4FFFF;
	_ =	strace $0x90000049  }
0xc0: {  	s29 =	simm.s32 $0xA;
	_ =	strace $0x8000004B  }
0xc1: {  	_ =	swait.ge [sflag:s29], $0x1  }
0xc2: {  	[sflag:s29] =	ssyncadd.s32 $0xFFFFFFFF  }
0xc3: {  	_ =	strace $0x9000004B  }
0xc4: {  	_ =	sfence  }
0xc5: {  	s30 =	sld [smem:$0x0];
	_ =	sdelay $0x2  }
0xc6: {  	s31 =	sshll.u32 s1, $0xD;
	s1 =	sshrl.u32 s1, $0x2  }
0xc7: {  	s4 =	sand.u32 $0x4000, s31;
	s1 =	sadd.s32 s1, s30  }
0xc8: {  	s0 =	sor.u32 s4, s0;
	s1 =	sshll.u32 s1, $0x11  }
0xc9: {  	s0 =	sor.u32 s1, s0  }
0xca: {  	s0 =	sadd.s32 $0x8F2B, s0  }
0xcb: {  	[sflag:s0] =	ssyncadd.remote.s32 $0x1  }
0xcc: {  	_ =	sfence.sel $0xFFFF  }
0xcd: {  	[dreg:$0x0] =	wrdreg $0xFFFFFFFF;
	(pc) =	sbr.abs _section_cstart, $3  }
0xce: {  	[dreg:$0x1] =	wrdreg $0xFFFFFFFF  }
0xcf: {  	_ =	task.clear_ibuf [dreg:s22], $0x2FFFF;
	_ =	strace $0x9FFFFFFF  }
0xd0: {  	(tm) =	ssettm $0x7FFFFFFF  }
0xd1: {  	_ =	shalt  }
tec
execute0_lowered:
.L_overlay_start_1:
0x0: {  	(tag) =	ssettag $0x1  }
0x1: {  	s0 =	srdreg.scid  }
0x2: {  	s1 =	stileid.u32;
	s4 =	rddreg [dreg:$0x0];
	s2 =	simm.s32 $0x0  }
0x3: {  	s19 =	simm.s32 $0xFC00;
	s20 =	simm.s32 $0x3;
	s21 =	simm.s32 $0x10C40  }
0x4: {  	s28 =	simm.s32 $0x80;
	s29 =	simm.s32 $0xE00;
	s30 =	simm.s32 $0x1C00  }
0x5: {  	s0 =	sand.u32 $0x1, s0;
	[smem:$0x7FF] =	sst s2;
	s8 =	sadd.s32 $0x190600, s4  }
0x6: {  	s24 =	sadd.s32 $0x9A00, s4;
	_ =	strace $0x8000004A;
	[dreg:$0x2] =	wrdreg s8  }
0x7: {  	s1 =	sshll.u32 s1, $0x1;
	s25 =	sadd.s32 $0xA800, s4;
	[dreg:$0x3] =	wrdreg s24  }
0x8: {  	s31 =	simm.s32 $0x5C00;
	s1 =	sor.u32 s0, s1;
	[dreg:$0x4] =	wrdreg s25  }
0x9: {  	s0 =	ssub.s32 $0x2, s0;
	s3 =	smul.u32 $0x1C0, s1;
	s6 =	sshll.u32 s1, $0x3  }
0xa: {  	s7 =	smul.u32 $0x7000, s1;
	s26 =	sshll.u32 s1, $0x9;
	s9 =	sshll.u32 s1, $0x7  }
0xb: {  	s10 =	sshrl.u32 s0, $0x1;
	s11 =	sshll.u32 s1, $0x6;
	s1 =	simm.s32 $0x3C00  }
0xc: {  	s6 =	sadd.s32 s6, s4;
	s8 =	sadd.s32 s26, s4;
	s0 =	ssub.s32 s0, s10  }
0xd: {  	s5 =	sadd.s32 s3, s4;
	s3 =	sadd.s32 $0x253C00, s4;
	s7 =	sadd.s32 s7, s4  }
0xe: {  	s4 =	sadd.s32 s9, s4;
	s22 =	sadd.s32 $0xA600, s6;
	s23 =	sadd.s32 $0xA200, s6  }
0xf: {  	s24 =	sadd.s32 $0x9E00, s6;
	s26 =	sadd.s32 $0xF6200, s8;
	s15 =	smax.u32 s0, $0x1  }
0x10: {  	s0 =	simm.s32 $0x7C00;
	s6 =	simm.s32 $0xDC00;
	[dreg:$0x5] =	wrdreg s22  }
0x11: {  	s8 =	simm.s32 $0x2;
	s9 =	simm.s32 $0x0;
	[dreg:$0x6] =	wrdreg s23  }
0x12: {  	s25 =	sadd.s32 $0xF0A00, s5;
	s12 =	sadd.s32 $0xF5200, s4;
	s13 =	sadd.s32 $0xF4200, s4  }
0x13: {  	[dreg:$0x7] =	wrdreg s24;
	s14 =	sadd.s32 $0x317200, s7;
	s16 =	sadd.s32 $0x318E00, s7  }
0x14: {  	[dreg:$0x9] =	wrdreg s26;
	s17 =	sadd.s32 $0x31AA00, s7;
	s18 =	sadd.s32 $0x31C600, s7  }
0x15: {  	s22 =	simm.s32 $0x11080;
	s23 =	simm.s32 $0x40;
	s24 =	simm.s32 $0xFC40  }
0x16: {  	s26 =	simm.s32 $0x110C0;
	s4 =	simm.s32 $0x9C00;
	s5 =	simm.s32 $0xBC00  }
0x17: {  	v1 =	vlaneseq.u32;
	v0 =	vmov s11;
	s7 =	simm.s32 $0x1;
	[dreg:$0x8] =	wrdreg s25;
	s25 =	simm.s32 $0x10C80  }
.LBB2_1:
0x18: {  	s10 =	rddreg [dreg:$0x5]  }
0x19: {  	[tilespmem:s19], [sflag:$0x3] =	stream.linear.gather [hbm4b:s10+s2], $0x40, $0x38;
	[tilespmem:$0x114C0] =	vst v63  }
0x1a: {  	_ =	swait.ge [sflag:s20], $0x40  }
0x1b: {  	[sflag:s20] =	ssyncset.done $0x0  }
0x1c: {  	v5 =	vor.u32 s2, v1;
	s11 =	rddreg [dreg:$0x6];
	[sflag:s20] =	ssyncadd.s32 $0xFFFFFFC0  }
0x1d: {  	v2 =	vmul.u32 $0x924A, v5;
	[tilespmem:s21], [sflag:$0x3] =	stream.linear.gather [hbm4b:s11+s2], $0x40, $0x38;
	[tilespmem:$0x114C0] =	vst v63  }
0x1e: {  	_ =	swait.ge [sflag:s20], $0x40  }
0x1f: {  	v6 =	vshrl.u32 v2, $0x15;
	[sflag:s20] =	ssyncset.done $0x0  }
0x20: {  	v2 =	vmul.u32 $0xFFFFFFFA, v6;
	s11 =	rddreg [dreg:$0x7];
	[sflag:s20] =	ssyncadd.s32 $0xFFFFFFC0  }
0x21: {  	[tilespmem:s22], [sflag:$0x3] =	stream.linear.gather [hbm4b:s11+s2], $0x40, $0x38;
	[tilespmem:$0x114C0] =	vst v63  }
0x22: {  	v3 =	vadd.s32 v5, v2;
	s11 =	simm.s32 $0x10  }
0x23: {  	v2 =	vmul.u32 $0xA3D8, v3;
	_ =	swait.ge [sflag:s20], $0x40;
	v13 =	vor.u32 s11, v1  }
0x24: {  	[sflag:s20] =	ssyncset.done $0x0;
	v4 =	vmul.u32 $0x924A, v13  }
0x25: {  	v7 =	vshrl.u32 v2, $0x15;
	s11 =	rddreg [dreg:$0x2];
	[sflag:s20] =	ssyncadd.s32 $0xFFFFFFC0  }
0x26: {  	v8 =	vmul.u32 $0xFFFFFFCE, v7;
	[tilespmem:s24], [sflag:$0x2] =	stream.indirect.gather [hbm4b:s11+s23], $0x40, s19, s23, $0xb8;
	v9 =	vshrl.u32 v4, $0x15;
	[tilespmem:$0x114C0] =	vst v63  }
0x27: {  	s10 =	simm.s32 $0x20;
	s11 =	rddreg [dreg:$0x3];
	v4 =	vmul.u32 $0xFFFFFFFA, v9  }
0x28: {  	v2 =	vor.u32 s10, v1;
	v7 =	vmul.u32 $0x38, v7;
	v3 =	vadd.s32 v3, v8;
	[tilespmem:s25], [sflag:$0x2] =	stream.indirect.gather [hbm4b:s11+s23], $0x10, s21, s23, $0xb8;
	[tilespmem:$0x114C0] =	vst v63  }
0x29: {  	v10 =	vand.u32 $0xFFFFFFF8, v3;
	v3 =	vand.u32 $0x7, v3;
	s11 =	rddreg [dreg:$0x4];
	v8 =	vadd.s32 v13, v4  }
0x2a: {  	v7 =	vadd.s32 v7, v10;
	v4 =	vmul.u32 $0x924A, v2;
	[tilespmem:s26], [sflag:$0x2] =	stream.indirect.gather [hbm4b:s11+s23], $0x10, s22, s23, $0xb8;
	v11 =	vmul.u32 $0xA3D8, v8;
	[tilespmem:$0x114C0] =	vst v63  }
0x2b: {  	v7 =	vor.u32 v3, v7;
	s11 =	rddreg [dreg:$0x8]  }
0x2c: {  	v4 =	vshrl.u32 v4, $0x15;
	[tilespmem:s2], [sflag:$0x3] =	stream.linear.gather [hbm4b:s11+s2], $0xE00, $0x38;
	v10 =	vshrl.u32 v11, $0x15;
	[tilespmem:$0x114C0] =	vst v63  }
0x2d: {  	v11 =	vmul.u32 $0xFFFFFFFA, v4;
	v12 =	vmul.u32 $0xFFFFFFCE, v10;
	_ =	swait.ge [sflag:s20], $0xE00  }
0x2e: {  	v15 =	vmul.u32 $0xFFFFFFC8, v6;
	[sflag:s20] =	ssyncset.done $0x0  }
0x2f: {  	v10 =	vmul.u32 $0x38, v10;
	v11 =	vadd.s32 v2, v11;
	v8 =	vadd.s32 v8, v12;
	[sflag:s20] =	ssyncadd.s32 $0xFFFFF200  }
0x30: {  	v6 =	vadd.s32 v0, v6;
	v12 =	vmul.u32 $0xA3D8, v11;
	v14 =	vand.u32 $0xFFFFFFF8, v8;
	v7 =	vld.idx.msk [tilespmem:v7+s2+$0x0], $0xffff  }
0x31: {  	v6 =	vmul.u32 $0x18, v6;
	s11 =	simm.s32 $0x30;
	v8 =	vand.u32 $0x7, v8;
	v10 =	vadd.s32 v10, v14  }
0x32: {  	v3 =	vor.u32 s11, v1;
	v12 =	vshrl.u32 v12, $0x15;
	v10 =	vor.u32 v8, v10  }
0x33: {  	v5 =	vadd.s32 v5, v15;
	v14 =	vmul.u32 $0x924A, v3;
	v16 =	vmul.u32 $0xFFFFFFCE, v12  }
0x34: {  	vm0 =	vgt.s32 v5, $0x31;
	v8 =	vor.u32 $0x1, v6;
	v12 =	vmul.u32 $0x38, v12  }
0x35: {  	v6 =	vshrl.u32 v14, $0x15;
	v11 =	vadd.s32 v11, v16;
	v8 =	vsel vm0, v8, v7  }
0x36: {  	v14 =	vmul.u32 $0xFFFFFFFA, v6;
	v15 =	vand.u32 $0xFFFFFFF8, v11;
	[tilespmem:s29+$0x0] =	vst v8  }
0x37: {  	v63 =	vadd.s32 v0, v9;
	s11 =	simm.s32 $0x40;
	v12 =	vadd.s32 v12, v15;
	v15 =	vmul.u32 $0xFFFFFFC8, v9;
	v9 =	vld.idx.msk [tilespmem:v10+s2+$0x0], $0xffff  }
0x38: {  	v5 =	vor.u32 s11, v1;
	v7 =	vadd.s32 v3, v14;
	v14 =	vand.u32 $0x7, v11  }
0x39: {  	v11 =	vmul.u32 $0xA3D8, v7;
	v8 =	vor.u32 v14, v12;
	v12 =	vmul.u32 $0x18, v63  }
0x3a: {  	s10 =	simm.s32 $0xE00;
	s11 =	simm.s32 $0x50;
	v10 =	vmul.u32 $0x924A, v5;
	v13 =	vadd.s32 v13, v15  }
.LBB2_2:
0x3b: {  	p0 =	sne.s32 s11, $0xDF0;
	v11 =	vshrl.u32 v11, $0x15;
	v12 =	vor.u32 $0x1, v12;
	vm0 =	vgt.s32 v13, $0x31  }
0x3c: {  	s10 =	sadd.s32 $0x10, s10;
	v13 =	vmul.u32 $0xFFFFFFCE, v11;
	v9 =	vsel vm0, v12, v9  }
0x3d: {  	v14 =	vor.u32 s11, v1;
	v10 =	vshrl.u32 v10, $0x15;
	[tilespmem:s10+$0x0] =	vst v9  }
.Ltmp0:
0x3e: {  	v11 =	vmul.u32 $0x38, v11;
	v12 =	vmul.u32 $0xFFFFFFFA, v10;
	v13 =	vadd.s32 v7, v13;
	v9 =	vld.idx.msk [tilespmem:v8+s2+$0x0], $0xffff;
	(pc) =	sbr.rel @p0 .LBB2_2-.Ltmp0, $4  }
0x3f: {  	v15 =	vmul.u32 $0xFFFFFFC8, v4;
	v16 =	vadd.s32 v0, v4;
	v4 =	vmovc v6;
	v6 =	vmovc v10;
	v8 =	vand.u32 $0xFFFFFFF8, v13  }
0x40: {  	v7 =	vadd.s32 v5, v12;
	v10 =	vand.u32 $0x7, v13;
	v8 =	vadd.s32 v11, v8  }
0x41: {  	v12 =	vmul.u32 $0x18, v16;
	v11 =	vmul.u32 $0xA3D8, v7;
	v8 =	vor.u32 v10, v8  }
0x42: {  	s11 =	sadd.s32 $0x10, s11;
	v13 =	vadd.s32 v2, v15;
	v2 =	vmovc v3;
	v3 =	vmovc v5;
	v5 =	vmov v14;
	v10 =	vmul.u32 $0x924A, v14  }
0x43: {  	v11 =	vshrl.u32 v11, $0x15;
	vm0 =	vgt.s32 v13, $0x31  }
0x44: {  	v12 =	vor.u32 $0x1, v12;
	v14 =	vmul.u32 $0xFFFFFFCE, v11;
	v10 =	vshrl.u32 v10, $0x15  }
0x45: {  	s10 =	sadd.s32 $0x10, s10;
	v9 =	vsel vm0, v12, v9;
	v51 =	vmul.u32 $0xFFFFFFFA, v10  }
0x46: {  	v54 =	vmul.u32 $0xFFFFFFC8, v4;
	v52 =	vmul.u32 $0x38, v11;
	[tilespmem:s10+$0x0] =	vst v9;
	v7 =	vadd.s32 v7, v14  }
0x47: {  	v55 =	vadd.s32 v0, v4;
	v8 =	vld.idx.msk [tilespmem:v8+s2+$0x0], $0xffff;
	v53 =	vand.u32 $0xFFFFFFF8, v7;
	v12 =	vadd.s32 v5, v51  }
0x48: {  	v7 =	vand.u32 $0x7, v7;
	v9 =	vadd.s32 v52, v53;
	v56 =	vmul.u32 $0xA3D8, v12  }
0x49: {  	v4 =	vmul.u32 $0x18, v55;
	v7 =	vor.u32 v7, v9  }
0x4a: {  	v2 =	vadd.s32 v2, v54;
	v57 =	vshrl.u32 v56, $0x15  }
0x4b: {  	v4 =	vor.u32 $0x1, v4;
	vm13 =	vgt.s32 v2, $0x31;
	v2 =	vmul.u32 $0xFFFFFFCE, v57  }
0x4c: {  	s10 =	sadd.s32 $0x10, s10;
	v4 =	vsel vm13, v4, v8  }
0x4d: {  	v58 =	vmul.u32 $0x38, v57;
	[tilespmem:s10+$0x0] =	vst v4;
	v2 =	vadd.s32 v12, v2  }
0x4e: {  	v60 =	vmul.u32 $0xFFFFFFC8, v6;
	v7 =	vld.idx.msk [tilespmem:v7+s2+$0x0], $0xffff;
	v59 =	vand.u32 $0xFFFFFFF8, v2  }
0x4f: {  	v61 =	vadd.s32 v0, v6;
	v2 =	vand.u32 $0x7, v2;
	v4 =	vadd.s32 v58, v59  }
0x50: {  	v62 =	vmul.u32 $0x18, v61;
	v2 =	vor.u32 v2, v4  }
0x51: {  	v3 =	vadd.s32 v3, v60  }
0x52: {  	vm14 =	vgt.s32 v3, $0x31;
	v4 =	vor.u32 $0x1, v62  }
0x53: {  	s10 =	sadd.s32 $0x10, s10;
	v3 =	vsel vm14, v4, v7  }
0x54: {  	[tilespmem:s10+$0x0] =	vst v3  }
0x55: {  	v2 =	vld.idx.msk [tilespmem:v2+s2+$0x0], $0xffff  }
0x56: {  	v63 =	vadd.s32 v0, v10;
	v3 =	vmul.u32 $0xFFFFFFC8, v10  }
0x57: {  	v4 =	vmul.u32 $0x18, v63  }
0x58: {  	v3 =	vadd.s32 v5, v3  }
0x59: {  	v4 =	vor.u32 $0x1, v4;
	vm15 =	vgt.s32 v3, $0x31  }
0x5a: {  	s10 =	sadd.s32 $0x10, s10;
	v2 =	vsel vm15, v4, v2  }
0x5b: {  	[tilespmem:s10+$0x0] =	vst v2  }
0x5c: {  	[tilespmem:s30], [sflag:$0x1] =	stream.indirect.gather [hbm4b:s3+s28], $0x40, s29, s28, $0xb8;
	[tilespmem:$0x114C0] =	vst v63  }
0x5d: {  	s11 =	simm.s32 $0xE80  }
0x5e: {  	[tilespmem:s1], [sflag:$0x1] =	stream.indirect.gather [hbm4b:s3+s28], $0x40, s11, s28, $0xb8;
	[tilespmem:$0x114C0] =	vst v63  }
0x5f: {  	s11 =	simm.s32 $0xF00  }
0x60: {  	[tilespmem:s31], [sflag:$0x1] =	stream.indirect.gather [hbm4b:s3+s28], $0x40, s11, s28, $0xb8;
	[tilespmem:$0x114C0] =	vst v63  }
0x61: {  	s11 =	simm.s32 $0xF80  }
0x62: {  	[tilespmem:s0], [sflag:$0x1] =	stream.indirect.gather [hbm4b:s3+s28], $0x40, s11, s28, $0xb8;
	[tilespmem:$0x114C0] =	vst v63  }
0x63: {  	s11 =	simm.s32 $0x1000  }
0x64: {  	[tilespmem:s4], [sflag:$0x1] =	stream.indirect.gather [hbm4b:s3+s28], $0x40, s11, s28, $0xb8;
	[tilespmem:$0x114C0] =	vst v63  }
0x65: {  	s11 =	simm.s32 $0x1080  }
0x66: {  	[tilespmem:s5], [sflag:$0x1] =	stream.indirect.gather [hbm4b:s3+s28], $0x40, s11, s28, $0xb8;
	[tilespmem:$0x114C0] =	vst v63  }
0x67: {  	s11 =	simm.s32 $0x1100  }
0x68: {  	[tilespmem:s6], [sflag:$0x1] =	stream.indirect.gather [hbm4b:s3+s28], $0x40, s11, s28, $0xb8;
	[tilespmem:$0x114C0] =	vst v63  }
0x69: {  	_ =	swait.ge [sflag:s7], $0x2000  }
0x6a: {  	[sflag:s7] =	ssyncset.done $0x0  }
0x6b: {  	[sflag:s7] =	ssyncadd.s32 $0xFFFFE000  }
0x6c: {  	_ =	swait.ge [sflag:s7], $0x2000  }
0x6d: {  	[sflag:s7] =	ssyncset.done $0x0  }
0x6e: {  	[sflag:s7] =	ssyncadd.s32 $0xFFFFE000  }
0x6f: {  	_ =	swait.ge [sflag:s7], $0x2000  }
0x70: {  	[sflag:s7] =	ssyncset.done $0x0  }
0x71: {  	[sflag:s7] =	ssyncadd.s32 $0xFFFFE000  }
0x72: {  	_ =	swait.ge [sflag:s7], $0x2000  }
0x73: {  	[sflag:s7] =	ssyncset.done $0x0  }
0x74: {  	[sflag:s7] =	ssyncadd.s32 $0xFFFFE000  }
0x75: {  	_ =	swait.ge [sflag:s7], $0x2000  }
0x76: {  	[sflag:s7] =	ssyncset.done $0x0  }
0x77: {  	[sflag:s7] =	ssyncadd.s32 $0xFFFFE000  }
0x78: {  	_ =	swait.ge [sflag:s7], $0x2000  }
0x79: {  	[sflag:s7] =	ssyncset.done $0x0  }
0x7a: {  	[sflag:s7] =	ssyncadd.s32 $0xFFFFE000  }
0x7b: {  	_ =	swait.ge [sflag:s7], $0x2000  }
0x7c: {  	[sflag:s7] =	ssyncset.done $0x0  }
0x7d: {  	[sflag:s7] =	ssyncadd.s32 $0xFFFFE000  }
0x7e: {  	[hbm4b:s14+s2] =	stream.linear.scatter [tilespmem:s30], [sflag:$0x3], $0xE000, $0x38;
	[tilespmem:$0x114C0] =	vst v63  }
0x7f: {  	_ =	swait.ge [sflag:s20], $0xE000  }
0x80: {  	[sflag:s20] =	ssyncset.done $0x0  }
0x81: {  	s11 =	simm.s32 $0x1180;
	[sflag:s20] =	ssyncadd.s32 $0xFFFF2000  }
0x82: {  	[tilespmem:s30], [sflag:$0x1] =	stream.indirect.gather [hbm4b:s3+s28], $0x40, s11, s28, $0xb8;
	[tilespmem:$0x114C0] =	vst v63  }
0x83: {  	s11 =	simm.s32 $0x1200  }
0x84: {  	[tilespmem:s1], [sflag:$0x1] =	stream.indirect.gather [hbm4b:s3+s28], $0x40, s11, s28, $0xb8;
	[tilespmem:$0x114C0] =	vst v63  }
0x85: {  	s11 =	simm.s32 $0x1280  }
0x86: {  	[tilespmem:s31], [sflag:$0x1] =	stream.indirect.gather [hbm4b:s3+s28], $0x40, s11, s28, $0xb8;
	[tilespmem:$0x114C0] =	vst v63  }
0x87: {  	s11 =	simm.s32 $0x1300  }
0x88: {  	[tilespmem:s0], [sflag:$0x1] =	stream.indirect.gather [hbm4b:s3+s28], $0x40, s11, s28, $0xb8;
	[tilespmem:$0x114C0] =	vst v63  }
0x89: {  	s11 =	simm.s32 $0x1380  }
0x8a: {  	[tilespmem:s4], [sflag:$0x1] =	stream.indirect.gather [hbm4b:s3+s28], $0x40, s11, s28, $0xb8;
	[tilespmem:$0x114C0] =	vst v63  }
0x8b: {  	s11 =	simm.s32 $0x1400  }
0x8c: {  	[tilespmem:s5], [sflag:$0x1] =	stream.indirect.gather [hbm4b:s3+s28], $0x40, s11, s28, $0xb8;
	[tilespmem:$0x114C0] =	vst v63  }
0x8d: {  	s11 =	simm.s32 $0x1480  }
0x8e: {  	[tilespmem:s6], [sflag:$0x1] =	stream.indirect.gather [hbm4b:s3+s28], $0x40, s11, s28, $0xb8;
	[tilespmem:$0x114C0] =	vst v63  }
0x8f: {  	_ =	swait.ge [sflag:s7], $0x2000  }
0x90: {  	[sflag:s7] =	ssyncset.done $0x0  }
0x91: {  	[sflag:s7] =	ssyncadd.s32 $0xFFFFE000  }
0x92: {  	_ =	swait.ge [sflag:s7], $0x2000  }
0x93: {  	[sflag:s7] =	ssyncset.done $0x0  }
0x94: {  	[sflag:s7] =	ssyncadd.s32 $0xFFFFE000  }
0x95: {  	_ =	swait.ge [sflag:s7], $0x2000  }
0x96: {  	[sflag:s7] =	ssyncset.done $0x0  }
0x97: {  	[sflag:s7] =	ssyncadd.s32 $0xFFFFE000  }
0x98: {  	_ =	swait.ge [sflag:s7], $0x2000  }
0x99: {  	[sflag:s7] =	ssyncset.done $0x0  }
0x9a: {  	[sflag:s7] =	ssyncadd.s32 $0xFFFFE000  }
0x9b: {  	_ =	swait.ge [sflag:s7], $0x2000  }
0x9c: {  	[sflag:s7] =	ssyncset.done $0x0  }
0x9d: {  	[sflag:s7] =	ssyncadd.s32 $0xFFFFE000  }
0x9e: {  	_ =	swait.ge [sflag:s7], $0x2000  }
0x9f: {  	[sflag:s7] =	ssyncset.done $0x0  }
0xa0: {  	[sflag:s7] =	ssyncadd.s32 $0xFFFFE000  }
0xa1: {  	_ =	swait.ge [sflag:s7], $0x2000  }
0xa2: {  	[sflag:s7] =	ssyncset.done $0x0  }
0xa3: {  	[sflag:s7] =	ssyncadd.s32 $0xFFFFE000  }
0xa4: {  	[hbm4b:s16+s2] =	stream.linear.scatter [tilespmem:s30], [sflag:$0x3], $0xE000, $0x38;
	[tilespmem:$0x114C0] =	vst v63  }
0xa5: {  	_ =	swait.ge [sflag:s20], $0xE000  }
0xa6: {  	[sflag:s20] =	ssyncset.done $0x0  }
0xa7: {  	s11 =	simm.s32 $0x1500;
	[sflag:s20] =	ssyncadd.s32 $0xFFFF2000  }
0xa8: {  	[tilespmem:s30], [sflag:$0x1] =	stream.indirect.gather [hbm4b:s3+s28], $0x40, s11, s28, $0xb8;
	[tilespmem:$0x114C0] =	vst v63  }
0xa9: {  	s11 =	simm.s32 $0x1580  }
0xaa: {  	[tilespmem:s1], [sflag:$0x1] =	stream.indirect.gather [hbm4b:s3+s28], $0x40, s11, s28, $0xb8;
	[tilespmem:$0x114C0] =	vst v63  }
0xab: {  	s11 =	simm.s32 $0x1600  }
0xac: {  	[tilespmem:s31], [sflag:$0x1] =	stream.indirect.gather [hbm4b:s3+s28], $0x40, s11, s28, $0xb8;
	[tilespmem:$0x114C0] =	vst v63  }
0xad: {  	s11 =	simm.s32 $0x1680  }
0xae: {  	[tilespmem:s0], [sflag:$0x1] =	stream.indirect.gather [hbm4b:s3+s28], $0x40, s11, s28, $0xb8;
	[tilespmem:$0x114C0] =	vst v63  }
0xaf: {  	s11 =	simm.s32 $0x1700  }
0xb0: {  	[tilespmem:s4], [sflag:$0x1] =	stream.indirect.gather [hbm4b:s3+s28], $0x40, s11, s28, $0xb8;
	[tilespmem:$0x114C0] =	vst v63  }
0xb1: {  	s11 =	simm.s32 $0x1780  }
0xb2: {  	[tilespmem:s5], [sflag:$0x1] =	stream.indirect.gather [hbm4b:s3+s28], $0x40, s11, s28, $0xb8;
	[tilespmem:$0x114C0] =	vst v63  }
0xb3: {  	s11 =	simm.s32 $0x1800  }
0xb4: {  	[tilespmem:s6], [sflag:$0x1] =	stream.indirect.gather [hbm4b:s3+s28], $0x40, s11, s28, $0xb8;
	[tilespmem:$0x114C0] =	vst v63  }
0xb5: {  	_ =	swait.ge [sflag:s7], $0x2000  }
0xb6: {  	[sflag:s7] =	ssyncset.done $0x0  }
0xb7: {  	[sflag:s7] =	ssyncadd.s32 $0xFFFFE000  }
0xb8: {  	_ =	swait.ge [sflag:s7], $0x2000  }
0xb9: {  	[sflag:s7] =	ssyncset.done $0x0  }
0xba: {  	[sflag:s7] =	ssyncadd.s32 $0xFFFFE000  }
0xbb: {  	_ =	swait.ge [sflag:s7], $0x2000  }
0xbc: {  	[sflag:s7] =	ssyncset.done $0x0  }
0xbd: {  	[sflag:s7] =	ssyncadd.s32 $0xFFFFE000  }
0xbe: {  	_ =	swait.ge [sflag:s7], $0x2000  }
0xbf: {  	[sflag:s7] =	ssyncset.done $0x0  }
0xc0: {  	[sflag:s7] =	ssyncadd.s32 $0xFFFFE000  }
0xc1: {  	_ =	swait.ge [sflag:s7], $0x2000  }
0xc2: {  	[sflag:s7] =	ssyncset.done $0x0  }
0xc3: {  	[sflag:s7] =	ssyncadd.s32 $0xFFFFE000  }
0xc4: {  	_ =	swait.ge [sflag:s7], $0x2000  }
0xc5: {  	[sflag:s7] =	ssyncset.done $0x0  }
0xc6: {  	[sflag:s7] =	ssyncadd.s32 $0xFFFFE000  }
0xc7: {  	_ =	swait.ge [sflag:s7], $0x2000  }
0xc8: {  	[sflag:s7] =	ssyncset.done $0x0  }
0xc9: {  	[sflag:s7] =	ssyncadd.s32 $0xFFFFE000  }
0xca: {  	[hbm4b:s17+s2] =	stream.linear.scatter [tilespmem:s30], [sflag:$0x3], $0xE000, $0x38;
	[tilespmem:$0x114C0] =	vst v63  }
0xcb: {  	_ =	swait.ge [sflag:s20], $0xE000  }
0xcc: {  	[sflag:s20] =	ssyncset.done $0x0  }
0xcd: {  	s11 =	simm.s32 $0x1880;
	[sflag:s20] =	ssyncadd.s32 $0xFFFF2000  }
0xce: {  	[tilespmem:s30], [sflag:$0x1] =	stream.indirect.gather [hbm4b:s3+s28], $0x40, s11, s28, $0xb8;
	[tilespmem:$0x114C0] =	vst v63  }
0xcf: {  	s11 =	simm.s32 $0x1900  }
0xd0: {  	[tilespmem:s1], [sflag:$0x1] =	stream.indirect.gather [hbm4b:s3+s28], $0x40, s11, s28, $0xb8;
	[tilespmem:$0x114C0] =	vst v63  }
0xd1: {  	s11 =	simm.s32 $0x1980  }
0xd2: {  	[tilespmem:s31], [sflag:$0x1] =	stream.indirect.gather [hbm4b:s3+s28], $0x40, s11, s28, $0xb8;
	[tilespmem:$0x114C0] =	vst v63  }
0xd3: {  	s11 =	simm.s32 $0x1A00  }
0xd4: {  	[tilespmem:s0], [sflag:$0x1] =	stream.indirect.gather [hbm4b:s3+s28], $0x40, s11, s28, $0xb8;
	[tilespmem:$0x114C0] =	vst v63  }
0xd5: {  	s11 =	simm.s32 $0x1A80  }
0xd6: {  	[tilespmem:s4], [sflag:$0x1] =	stream.indirect.gather [hbm4b:s3+s28], $0x40, s11, s28, $0xb8;
	[tilespmem:$0x114C0] =	vst v63  }
0xd7: {  	s11 =	simm.s32 $0x1B00  }
0xd8: {  	[tilespmem:s5], [sflag:$0x1] =	stream.indirect.gather [hbm4b:s3+s28], $0x40, s11, s28, $0xb8;
	[tilespmem:$0x114C0] =	vst v63  }
0xd9: {  	s11 =	simm.s32 $0x1B80  }
0xda: {  	[tilespmem:s6], [sflag:$0x1] =	stream.indirect.gather [hbm4b:s3+s28], $0x40, s11, s28, $0xb8;
	[tilespmem:$0x114C0] =	vst v63  }
0xdb: {  	_ =	swait.ge [sflag:s7], $0x2000  }
0xdc: {  	[sflag:s7] =	ssyncset.done $0x0  }
0xdd: {  	[sflag:s7] =	ssyncadd.s32 $0xFFFFE000  }
0xde: {  	_ =	swait.ge [sflag:s7], $0x2000  }
0xdf: {  	[sflag:s7] =	ssyncset.done $0x0  }
0xe0: {  	[sflag:s7] =	ssyncadd.s32 $0xFFFFE000  }
0xe1: {  	_ =	swait.ge [sflag:s7], $0x2000  }
0xe2: {  	[sflag:s7] =	ssyncset.done $0x0  }
0xe3: {  	[sflag:s7] =	ssyncadd.s32 $0xFFFFE000  }
0xe4: {  	_ =	swait.ge [sflag:s7], $0x2000  }
0xe5: {  	[sflag:s7] =	ssyncset.done $0x0  }
0xe6: {  	[sflag:s7] =	ssyncadd.s32 $0xFFFFE000  }
0xe7: {  	_ =	swait.ge [sflag:s7], $0x2000  }
0xe8: {  	[sflag:s7] =	ssyncset.done $0x0  }
0xe9: {  	[sflag:s7] =	ssyncadd.s32 $0xFFFFE000  }
0xea: {  	_ =	swait.ge [sflag:s7], $0x2000  }
0xeb: {  	[sflag:s7] =	ssyncset.done $0x0  }
0xec: {  	[sflag:s7] =	ssyncadd.s32 $0xFFFFE000  }
0xed: {  	_ =	swait.ge [sflag:s7], $0x2000  }
0xee: {  	[sflag:s7] =	ssyncset.done $0x0  }
0xef: {  	[sflag:s7] =	ssyncadd.s32 $0xFFFFE000  }
0xf0: {  	[hbm4b:s18+s2] =	stream.linear.scatter [tilespmem:s30], [sflag:$0x3], $0xE000, $0x38;
	[tilespmem:$0x114C0] =	vst v63  }
0xf1: {  	_ =	swait.ge [sflag:s20], $0xE000  }
0xf2: {  	[sflag:s20] =	ssyncset.done $0x0  }
0xf3: {  	[sflag:s20] =	ssyncadd.s32 $0xFFFF2000  }
0xf4: {  	_ =	swait.ge [sflag:s8], $0x1000  }
0xf5: {  	[sflag:s8] =	ssyncset.done $0x0  }
0xf6: {  	[sflag:s8] =	ssyncadd.s32 $0xFFFFF000  }
0xf7: {  	_ =	swait.ge [sflag:s8], $0x400  }
0xf8: {  	[sflag:s8] =	ssyncset.done $0x0  }
0xf9: {  	[sflag:s8] =	ssyncadd.s32 $0xFFFFFC00  }
0xfa: {  	_ =	swait.ge [sflag:s8], $0x400  }
0xfb: {  	[sflag:s8] =	ssyncset.done $0x0  }
0xfc: {  	s11 =	rddreg [dreg:$0x9];
	[sflag:s8] =	ssyncadd.s32 $0xFFFFFC00  }
0xfd: {  	[hbm4b:s11+s2] =	stream.linear.scatter [tilespmem:s24], [sflag:$0x3], $0x1000, $0x38;
	[tilespmem:$0x114C0] =	vst v63  }
0xfe: {  	_ =	swait.ge [sflag:s20], $0x1000  }
0xff: {  	[sflag:s20] =	ssyncset.done $0x0  }
0x100: {  	[sflag:s20] =	ssyncadd.s32 $0xFFFFF000  }
0x101: {  	[hbm4b:s12+s2] =	stream.linear.scatter [tilespmem:s25], [sflag:$0x3], $0x400, $0x38;
	[tilespmem:$0x114C0] =	vst v63  }
0x102: {  	s9 =	sadd.s32 $0x1, s9;
	_ =	swait.ge [sflag:s20], $0x400  }
0x103: {  	p0 =	sne.s32 s9, s15;
	[sflag:s20] =	ssyncset.done $0x0  }
.Ltmp1:
0x104: {  	[sflag:s20] =	ssyncadd.s32 $0xFFFFFC00;
	(pc) =	sbr.rel @p0 .LBB2_1-.Ltmp1, $4  }
0x105: {  	[hbm4b:s13+s2] =	stream.linear.scatter [tilespmem:s26], [sflag:$0x3], $0x400, $0x38;
	[tilespmem:$0x114C0] =	vst v63  }
0x106: {  	_ =	swait.ge [sflag:s20], $0x400  }
0x107: {  	[sflag:s20] =	ssyncset.done $0x0  }
0x108: {  	[sflag:s20] =	ssyncadd.s32 $0xFFFFFC00  }
0x109: {  	_ =	sfence.sel $0x180000  }
0x10a: {  	[bflag:$0x0] =	sbarrier.arrive $0xFFFF  }
0x10b: {  	_ =	strace $0x9000004A  }
0x10c: {  	s0 =	stileid.u32;
	[bflag:$0x2] =	sbarrier.arrive $0xFFFF  }
0x10d: {  	p0 =	sne.s32 s0, $0x0;
	s0 =	rddreg [dreg:$0x1]  }
0x10e: {  	s0 =	sadd.s32 @!p0 $0x100000, s0  }
0x10f: {  	[sflag:s0] =	ssyncadd.tile.s32 @!p0 $0x1;
	_ =	shalt  }
.Lfunc_end2:
_tile_overlayer_lowered:
.L_overlay_start_2:
0x110: {  	(tag) =	ssettag $0x2  }
0x111: {  	s0 =	rddreg [dreg:$0x0];
	s2 =	stileid.u32  }
0x112: {  	s1 =	rddreg [dreg:$0x1];
	p0 =	sne.s32 s2, $0x0  }
0x113: {  	s3 =	rddreg [dreg:$0x2];
	[bflag:$0x3] =	sbarrier.arrive $0xFFFF;
	s2 =	simm.s32 @!p0 $0x1C03  }
0x114: {  	[timem:s3], [sflag:s2] =	dma.local @!p0 [hbm:s0], s1  }
0x115: {  	s0 =	simm.s32 @!p0 $0x3  }
0x116: {  	_ =	swait.ge @!p0 [sflag:s0], s1  }
0x117: {  	s1 =	ssub.s32 @!p0 $0x0, s1;
	[sflag:s0] =	ssyncset.done @!p0 $0x0  }
0x118: {  	[sflag:s0] =	ssyncadd.s32 @!p0 s1  }
0x119: {  	[bflag:$0x3] =	sbarrier.arrive $0xFFFF  }
0x11a: {  	_ =	shalt  }

</sc_bundles>
